<compile_context>
chip_gen: v7x
topology: tpu7x:2x2x1
jax: 0.10.2.dev20260603
libtpu: 0.0.44.dev20260713+nightly
codegen_flags: <defaults>
</compile_context>

<pallas_src>
import functools

import numpy as np
import jax
import jax.numpy as jnp
from jax import lax
from jax.experimental import pallas as pl
from jax.experimental.pallas import tpu as pltpu
from jax.experimental.pallas import tpu_sc as plsc

_BINS = 10
_EDGE_Q = tuple(
    float(np.log(k / 10.0) - np.log(1.0 - k / 10.0)) for k in range(1, 10)
)
_NCHAIN = 2 * _BINS - 1
_CHUNK = 16
_UNROLL = 2
_GROUP = 25

_LN1P = (5.621959e-07, 0.9999575, -0.49920657, 0.3269731,
         -0.22283626, 0.13076504, -0.05262485, 0.010119083)

_SC_WORKERS = 32
_SC_CHUNK = 400
_SC_GRP = 16


def _le_sc(q):
    u = jnp.exp(-jnp.abs(q))
    h = jnp.float32(_LN1P[7])
    for cidx in range(6, -1, -1):
        h = h * u + jnp.float32(_LN1P[cidx])
    return jnp.maximum(q, 0.0) + h


def _sc_chains(q, le, sign, accs):
    one = jnp.float32(sign)
    zero = jnp.float32(0.0)
    sle = le if sign > 0 else -le
    accs[0] = accs[0] + sle
    for k in range(1, _BINS):
        m = q >= jnp.float32(_EDGE_Q[k - 1])
        accs[2 * k - 1] = accs[2 * k - 1] + jnp.where(m, one, zero)
        accs[2 * k] = accs[2 * k] + jnp.where(m, sle, zero)
    return accs


def _sc_hist(pred, target, split, rows_per_worker):
    n, c = pred.shape
    nchunks = rows_per_worker // _SC_CHUNK
    ngrp = _SC_CHUNK // _SC_GRP
    mesh = plsc.VectorSubcoreMesh(core_axis_name="c", subcore_axis_name="s")

    @functools.partial(
        pl.kernel, mesh=mesh,
        out_type=jax.ShapeDtypeStruct((_SC_WORKERS, _NCHAIN, 16),
                                      jnp.float32),
        scratch_types=[
            pltpu.VMEM((_SC_CHUNK, c), jnp.float32),
            pltpu.VMEM((_SC_CHUNK,), jnp.int32),
            pltpu.VMEM((_NCHAIN, 16), jnp.float32),
        ],
    )
    def sc_kernel(pred_hbm, tgt_hbm, out_hbm, buf, tbuf, stage):
        wid = lax.axis_index("s") * 2 + lax.axis_index("c")
        base = split + wid * rows_per_worker
        iota16 = lax.broadcasted_iota(jnp.int32, (16,), 0)
        col_iotas = [iota16 + 16 * v for v in range(c // 16)]

        def chunk_body(ci, accs):
            row0 = base + ci * _SC_CHUNK
            pltpu.sync_copy(pred_hbm.at[pl.ds(row0, _SC_CHUNK), :], buf)
            pltpu.sync_copy(tgt_hbm.at[pl.ds(row0, _SC_CHUNK)], tbuf)

            def grp_body(g, accs):
                tv = tbuf[pl.ds(_SC_GRP * g, _SC_GRP)]

                def row_body(rr, accs):
                    accs = list(accs)
                    t = tv.at[jnp.full((16,), rr, jnp.int32)].get(
                        mode="promise_in_bounds")
                    r = g * _SC_GRP + rr
                    for v in range(c // 16):
                        x = buf[r, pl.ds(16 * v, 16)]
                        q = jnp.where(col_iotas[v] == t, -x, x)
                        accs = _sc_chains(q, _le_sc(q), 1.0, accs)
                    return tuple(accs)

                return lax.fori_loop(0, _SC_GRP, row_body, accs)

            return lax.fori_loop(0, ngrp, grp_body, accs)

        accs0 = tuple(jnp.zeros((16,), jnp.float32) for _ in range(_NCHAIN))
        accs = lax.fori_loop(0, nchunks, chunk_body, accs0)
        for k in range(_NCHAIN):
            stage[k, :] = accs[k]
        pltpu.sync_copy(stage, out_hbm.at[wid])

    return sc_kernel(pred, target)


def _hist_body(pred_ref, tgt_ref, cnt_ref, sum_ref, *, tile_n, c):
    i = pl.program_id(0)

    @pl.when(i == 0)
    def _init():
        cnt_ref[...] = jnp.zeros_like(cnt_ref)
        sum_ref[...] = jnp.zeros_like(sum_ref)

    p = pred_ref[...]
    tl = tgt_ref[...]
    tgt = jnp.transpose(tl.reshape(1, tile_n), (1, 0))
    cols = lax.broadcasted_iota(jnp.int32, (tile_n, c), 1)
    q = jnp.where(cols == tgt, -p, p)
    qb = q.astype(jnp.bfloat16)
    le_b = (jnp.maximum(qb, 0) +
            jnp.log1p(jnp.exp(-jnp.abs(qb)))).astype(jnp.bfloat16)

    sel8 = jnp.concatenate(
        [jnp.ones((1, tile_n), jnp.bfloat16),
         jnp.zeros((7, tile_n), jnp.bfloat16)], axis=0)
    dn = (((1,), (0,)), ((), ()))

    def colsum(x):
        return lax.dot_general(sel8, x, dn,
                               preferred_element_type=jnp.float32)

    one_b = jnp.asarray(1.0, jnp.bfloat16)
    zero_b = jnp.asarray(0.0, jnp.bfloat16)

    sum_ref[0] += colsum(le_b)
    for k in range(1, _BINS):
        cf_b = jnp.where(qb >= jnp.asarray(_EDGE_Q[k - 1], jnp.bfloat16),
                         one_b, zero_b)
        cnt_ref[k] += colsum(cf_b)
        sum_ref[k] += colsum(cf_b * le_b)


def _tc_hist(pred, target, tc_rows, tile_n, c):
    grid = tc_rows // tile_n
    return pl.pallas_call(
        functools.partial(_hist_body, tile_n=tile_n, c=c),
        grid=(grid,),
        in_specs=[
            pl.BlockSpec((tile_n, c), lambda i: (i, 0)),
            pl.BlockSpec((1, 1, tile_n), lambda i: (i, 0, 0)),
        ],
        out_specs=[
            pl.BlockSpec((_BINS, 8, c), lambda i: (0, 0, 0)),
            pl.BlockSpec((_BINS, 8, c), lambda i: (0, 0, 0)),
        ],
        out_shape=[
            jax.ShapeDtypeStruct((_BINS, 8, c), jnp.float32),
            jax.ShapeDtypeStruct((_BINS, 8, c), jnp.float32),
        ],
    )(pred, target[:tc_rows].reshape(grid, 1, tile_n))


def _pick_tile(n):
    for t in range(4000, 7, -8):
        if n % t == 0 and t % 8 == 0:
            return t
    return 0


def _pick_split(n, c):
    if c % 16 != 0:
        return 0
    step = _SC_WORKERS * _SC_CHUNK
    for sc_rows in range(step * (21 * n // (200 * step)), 0, -step):
        if _pick_tile(n - sc_rows):
            return sc_rows
    return 0


def kernel(pred, target):
    n, c = pred.shape
    sc_rows = _pick_split(n, c)
    tc_rows = n - sc_rows
    tile_n = _pick_tile(tc_rows)
    if not tile_n:
        sc_rows, tc_rows = 0, n
        tile_n = n

    cnt, ssum = _tc_hist(pred, target, tc_rows, tile_n, c)
    cum = cnt.astype(jnp.int32).sum(axis=(1, 2))
    T = ssum.sum(axis=(1, 2))

    if sc_rows:
        sc = _sc_hist(pred, target, tc_rows, sc_rows // _SC_WORKERS)
        scs = sc.sum(axis=(0, 2))
        sc_cnt = jnp.concatenate(
            [jnp.zeros((1,), jnp.float32), scs[1::2]])
        sc_t = jnp.concatenate([scs[0:1], scs[2::2]])
        cum = cum + jnp.round(sc_cnt).astype(jnp.int32)
        T = T + sc_t

    tot = jnp.float32(n * c)
    cum = cum.at[0].set(n * c)
    counts = cum - jnp.concatenate([cum[1:], jnp.zeros((1,), jnp.int32)])
    S = T - jnp.concatenate([T[1:], jnp.zeros((1,), jnp.float32)])

    counts_f = counts.astype(jnp.float32)
    nonempty = counts > 0
    nf = nonempty.sum().astype(jnp.float32)
    w = jnp.where(nonempty, tot / jnp.maximum(counts_f, 1.0), 0.0)
    loss = (w * S).sum()
    loss = jnp.where(nf > 0, loss / jnp.maximum(nf, 1.0), loss)
    return loss / tot

# --- scband reference (transcript-rebuilt; emitter-appended) ---
"""Pipeline reference for scband-ghmc-loss-38671885533680 (READ-ONLY COPY).

The authoritative reference and input builder live on the scoring server;
editing this copy changes nothing except your own understanding.
"""

import jax, jax.numpy as jnp
import numpy as np

BINS = 10
LOSS_WEIGHT = 1.0
N = 500000
C = 80


def setup_inputs(seed: int = 0) -> dict:
    key = jax.random.key(seed)
    k1, k2 = jax.random.split(key)
    pred = jax.random.normal(k1, (N, C), dtype=jnp.float32)
    target = jax.random.randint(k2, (N,), 0, C, dtype=jnp.int32)
    return {"pred": pred, "target": target}


def _ghmc_loss(pred, target):
    bins = BINS
    edges = jnp.arange(bins + 1, dtype=jnp.float32) / bins
    edges = edges.at[-1].add(1e-06)
    Cc = pred.shape[-1]
    # _expand_onehot_labels: labels in [0, C) become one-hot rows, others all-zero
    bin_labels = jax.nn.one_hot(target, Cc, dtype=jnp.float32)
    label_weight = jnp.ones((target.shape[0], Cc), dtype=jnp.float32)
    tgt = bin_labels
    # gradient norm g uses detached sigmoid(pred)
    g = jnp.abs(jax.nn.sigmoid(jax.lax.stop_gradient(pred)) - tgt)
    valid = label_weight > 0
    tot = jnp.maximum(valid.astype(jnp.float32).sum(), 1.0)
    # bin assignment: i such that edges[i] <= g < edges[i+1]
    bin_idx = jnp.clip(jnp.searchsorted(edges, g, side='right') - 1, 0, bins - 1)
    # histogram of valid examples over bins (invalid routed to overflow slot)
    flat_idx = jnp.where(valid, bin_idx, bins).ravel()
    counts = jnp.bincount(flat_idx, length=bins + 1)[:bins]
    counts_f = counts.astype(jnp.float32)
    nonempty = counts > 0
    n = nonempty.sum().astype(jnp.float32)
    w_per_bin = jnp.where(nonempty, tot / jnp.maximum(counts_f, 1.0), 0.0)
    weights = jnp.where(valid, w_per_bin[bin_idx], 0.0)
    weights = jnp.where(n > 0, weights / jnp.maximum(n, 1.0), weights)
    weights = jax.lax.stop_gradient(weights)
    # binary_cross_entropy_with_logits, weighted, reduction='sum'
    loss_elem = jnp.clip(pred, 0.0, None) - pred * tgt + jnp.log1p(jnp.exp(-jnp.abs(pred)))
    loss = (weights * loss_elem).sum() / tot
    return loss * LOSS_WEIGHT


def reference(pred, target):
    return _ghmc_loss(pred, target)

if __name__ == "__main__":
    import jax
    _d = setup_inputs()
    print(jax.jit(kernel)(*tuple(_d.values())))

</pallas_src>

<mosaic_0001>
#map = affine_map<(d0, d1) -> (0, 0)>
#map1 = affine_map<(d0, d1) -> (0)>
#map2 = affine_map<(d0, d1) -> (0, 0, 0)>
module attributes {stable_mosaic.version = 14 : i64} {
  func.func @sc_kernel(%arg0: i32, %arg1: i32, %arg2: memref<500000x80xf32, #tpu.memory_space<hbm>>, %arg3: memref<500000xi32, #tpu.memory_space<hbm>>, %arg4: memref<32x19x16xf32, #tpu.memory_space<hbm>>, %arg5: memref<400x80xf32, #tpu.memory_space<vmem>>, %arg6: memref<400xi32, #tpu.memory_space<vmem>>, %arg7: memref<19x16xf32, #tpu.memory_space<vmem>>) attributes {dimension_semantics = [#tpu.dimension_semantics<core_parallel>, #tpu.dimension_semantics<subcore_parallel>], iteration_bounds = array<i64: 2, 16>, scalar_prefetch = 0 : i64, scratch_operands = 3 : i64, tpu.core_type = #tpu.core_type<sc_vector_subcore>, window_params = [{transform_indices = #map}, {transform_indices = #map1}, {transform_indices = #map2}]} {
    %mul3A = arith.constant 2 : i32
    %mul3A_0 = arith.muli %arg1, %mul3A : i32
    %add3A = arith.addi %mul3A_0, %arg0 : i32
    %mul3A_1 = arith.constant 1600 : i32
    %mul3A_2 = arith.muli %add3A, %mul3A_1 : i32
    %add3A_3 = arith.constant 448800 : i32
    %add3A_4 = arith.addi %add3A_3, %mul3A_2 : i32
    %iota3A = tpu.iota {dimensions = array<i32: 0>} : vector<16xi32>
    %add3A_5 = arith.constant 0 : i32
    %add3A_6 = vector.broadcast %add3A_5 : i32 to vector<16xi32>
    %add3A_7 = arith.addi %iota3A, %add3A_6 : vector<16xi32>
    %add3A_8 = arith.constant 16 : i32
    %add3A_9 = vector.broadcast %add3A_8 : i32 to vector<16xi32>
    %add3A_10 = arith.addi %iota3A, %add3A_9 : vector<16xi32>
    %add3A_11 = arith.constant 32 : i32
    %add3A_12 = vector.broadcast %add3A_11 : i32 to vector<16xi32>
    %add3A_13 = arith.addi %iota3A, %add3A_12 : vector<16xi32>
    %add3A_14 = arith.constant 48 : i32
    %add3A_15 = vector.broadcast %add3A_14 : i32 to vector<16xi32>
    %add3A_16 = arith.addi %iota3A, %add3A_15 : vector<16xi32>
    %add3A_17 = arith.constant 64 : i32
    %add3A_18 = vector.broadcast %add3A_17 : i32 to vector<16xi32>
    %add3A_19 = arith.addi %iota3A, %add3A_18 : vector<16xi32>
    %broadcast_in_dim3A = arith.constant 0.000000e+00 : f32
    %broadcast_in_dim3A_20 = vector.broadcast %broadcast_in_dim3A : f32 to vector<16xf32>
    %broadcast_in_dim3A_21 = arith.constant 0.000000e+00 : f32
    %broadcast_in_dim3A_22 = vector.broadcast %broadcast_in_dim3A_21 : f32 to vector<16xf32>
    %broadcast_in_dim3A_23 = arith.constant 0.000000e+00 : f32
    %broadcast_in_dim3A_24 = vector.broadcast %broadcast_in_dim3A_23 : f32 to vector<16xf32>
    %broadcast_in_dim3A_25 = arith.constant 0.000000e+00 : f32
    %broadcast_in_dim3A_26 = vector.broadcast %broadcast_in_dim3A_25 : f32 to vector<16xf32>
    %broadcast_in_dim3A_27 = arith.constant 0.000000e+00 : f32
    %broadcast_in_dim3A_28 = vector.broadcast %broadcast_in_dim3A_27 : f32 to vector<16xf32>
    %broadcast_in_dim3A_29 = arith.constant 0.000000e+00 : f32
    %broadcast_in_dim3A_30 = vector.broadcast %broadcast_in_dim3A_29 : f32 to vector<16xf32>
    %broadcast_in_dim3A_31 = arith.constant 0.000000e+00 : f32
    %broadcast_in_dim3A_32 = vector.broadcast %broadcast_in_dim3A_31 : f32 to vector<16xf32>
    %broadcast_in_dim3A_33 = arith.constant 0.000000e+00 : f32
    %broadcast_in_dim3A_34 = vector.broadcast %broadcast_in_dim3A_33 : f32 to vector<16xf32>
    %broadcast_in_dim3A_35 = arith.constant 0.000000e+00 : f32
    %broadcast_in_dim3A_36 = vector.broadcast %broadcast_in_dim3A_35 : f32 to vector<16xf32>
    %broadcast_in_dim3A_37 = arith.constant 0.000000e+00 : f32
    %broadcast_in_dim3A_38 = vector.broadcast %broadcast_in_dim3A_37 : f32 to vector<16xf32>
    %broadcast_in_dim3A_39 = arith.constant 0.000000e+00 : f32
    %broadcast_in_dim3A_40 = vector.broadcast %broadcast_in_dim3A_39 : f32 to vector<16xf32>
    %broadcast_in_dim3A_41 = arith.constant 0.000000e+00 : f32
    %broadcast_in_dim3A_42 = vector.broadcast %broadcast_in_dim3A_41 : f32 to vector<16xf32>
    %broadcast_in_dim3A_43 = arith.constant 0.000000e+00 : f32
    %broadcast_in_dim3A_44 = vector.broadcast %broadcast_in_dim3A_43 : f32 to vector<16xf32>
    %broadcast_in_dim3A_45 = arith.constant 0.000000e+00 : f32
    %broadcast_in_dim3A_46 = vector.broadcast %broadcast_in_dim3A_45 : f32 to vector<16xf32>
    %broadcast_in_dim3A_47 = arith.constant 0.000000e+00 : f32
    %broadcast_in_dim3A_48 = vector.broadcast %broadcast_in_dim3A_47 : f32 to vector<16xf32>
    %broadcast_in_dim3A_49 = arith.constant 0.000000e+00 : f32
    %broadcast_in_dim3A_50 = vector.broadcast %broadcast_in_dim3A_49 : f32 to vector<16xf32>
    %broadcast_in_dim3A_51 = arith.constant 0.000000e+00 : f32
    %broadcast_in_dim3A_52 = vector.broadcast %broadcast_in_dim3A_51 : f32 to vector<16xf32>
    %broadcast_in_dim3A_53 = arith.constant 0.000000e+00 : f32
    %broadcast_in_dim3A_54 = vector.broadcast %broadcast_in_dim3A_53 : f32 to vector<16xf32>
    %broadcast_in_dim3A_55 = arith.constant 0.000000e+00 : f32
    %broadcast_in_dim3A_56 = vector.broadcast %broadcast_in_dim3A_55 : f32 to vector<16xf32>
    %scan3A = arith.constant 0 : i32
    %scan3A_57 = arith.constant 4 : i32
    %scan3A_58 = arith.addi %scan3A, %scan3A_57 : i32
    %scan3A_59 = arith.constant 1 : i32
    %scan3A_60:19 = scf.for %scan3A_175 = %scan3A to %scan3A_58 step %scan3A_59 iter_args(%scan3A_176 = %broadcast_in_dim3A_20, %scan3A_177 = %broadcast_in_dim3A_22, %scan3A_178 = %broadcast_in_dim3A_24, %scan3A_179 = %broadcast_in_dim3A_26, %scan3A_180 = %broadcast_in_dim3A_28, %scan3A_181 = %broadcast_in_dim3A_30, %scan3A_182 = %broadcast_in_dim3A_32, %scan3A_183 = %broadcast_in_dim3A_34, %scan3A_184 = %broadcast_in_dim3A_36, %scan3A_185 = %broadcast_in_dim3A_38, %scan3A_186 = %broadcast_in_dim3A_40, %scan3A_187 = %broadcast_in_dim3A_42, %scan3A_188 = %broadcast_in_dim3A_44, %scan3A_189 = %broadcast_in_dim3A_46, %scan3A_190 = %broadcast_in_dim3A_48, %scan3A_191 = %broadcast_in_dim3A_50, %scan3A_192 = %broadcast_in_dim3A_52, %scan3A_193 = %broadcast_in_dim3A_54, %scan3A_194 = %broadcast_in_dim3A_56) -> (vector<16xf32>, vector<16xf32>, vector<16xf32>, vector<16xf32>, vector<16xf32>, vector<16xf32>, vector<16xf32>, vector<16xf32>, vector<16xf32>, vector<16xf32>, vector<16xf32>, vector<16xf32>, vector<16xf32>, vector<16xf32>, vector<16xf32>, vector<16xf32>, vector<16xf32>, vector<16xf32>, vector<16xf32>)  : i32 {
      %mul3A_195 = arith.constant 400 : i32
      %mul3A_196 = arith.muli %scan3A_175, %mul3A_195 : i32
      %add3A_197 = arith.addi %add3A_4, %mul3A_196 : i32
      "tpu.region"() ({
        %run_scoped3A = tpu.sem_alloc : memref<!tpu.dma_semaphore, #tpu.memory_space<semaphore_mem>>
        %dma_start3A = arith.constant 0 : i32
        %dma_start3A_204 = tpu.memref_slice %arg2[%add3A_197, %dma_start3A] : memref<500000x80xf32, #tpu.memory_space<hbm>> -> memref<400x80xf32, #tpu.memory_space<hbm>>
        %dma_start3A_205 = arith.constant 0 : i32
        %dma_start3A_206 = tpu.memref_slice %arg2[%add3A_197, %dma_start3A_205] : memref<500000x80xf32, #tpu.memory_space<hbm>> -> memref<400x80xf32, #tpu.memory_space<hbm>>
        tpu.enqueue_dma source(%dma_start3A_206 : memref<400x80xf32, #tpu.memory_space<hbm>>) target(%arg5 : memref<400x80xf32, #tpu.memory_space<vmem>>) target_semaphore(%run_scoped3A : memref<!tpu.dma_semaphore, #tpu.memory_space<semaphore_mem>>)
        %dma_wait3A = arith.constant 0 : i32
        %dma_wait3A_207 = tpu.memref_slice %arg2[%add3A_197, %dma_wait3A] : memref<500000x80xf32, #tpu.memory_space<hbm>> -> memref<400x80xf32, #tpu.memory_space<hbm>>
        %dma_wait3A_208 = arith.constant 0 : i32
        %dma_wait3A_209 = tpu.memref_slice %arg2[%add3A_197, %dma_wait3A_208] : memref<500000x80xf32, #tpu.memory_space<hbm>> -> memref<400x80xf32, #tpu.memory_space<hbm>>
        tpu.wait_dma2 semaphore(%run_scoped3A : memref<!tpu.dma_semaphore, #tpu.memory_space<semaphore_mem>>) src(%dma_wait3A_209 : memref<400x80xf32, #tpu.memory_space<hbm>>) dst(%arg5 : memref<400x80xf32, #tpu.memory_space<vmem>>)
        tpu.yield
      }) : () -> ()
      "tpu.region"() ({
        %run_scoped3A = tpu.sem_alloc : memref<!tpu.dma_semaphore, #tpu.memory_space<semaphore_mem>>
        %dma_start3A = tpu.memref_slice %arg3[%add3A_197] : memref<500000xi32, #tpu.memory_space<hbm>> -> memref<400xi32, #tpu.memory_space<hbm>>
        %dma_start3A_204 = tpu.memref_slice %arg3[%add3A_197] : memref<500000xi32, #tpu.memory_space<hbm>> -> memref<400xi32, #tpu.memory_space<hbm>>
        tpu.enqueue_dma source(%dma_start3A_204 : memref<400xi32, #tpu.memory_space<hbm>>) target(%arg6 : memref<400xi32, #tpu.memory_space<vmem>>) target_semaphore(%run_scoped3A : memref<!tpu.dma_semaphore, #tpu.memory_space<semaphore_mem>>)
        %dma_wait3A = tpu.memref_slice %arg3[%add3A_197] : memref<500000xi32, #tpu.memory_space<hbm>> -> memref<400xi32, #tpu.memory_space<hbm>>
        %dma_wait3A_205 = tpu.memref_slice %arg3[%add3A_197] : memref<500000xi32, #tpu.memory_space<hbm>> -> memref<400xi32, #tpu.memory_space<hbm>>
        tpu.wait_dma2 semaphore(%run_scoped3A : memref<!tpu.dma_semaphore, #tpu.memory_space<semaphore_mem>>) src(%dma_wait3A_205 : memref<400xi32, #tpu.memory_space<hbm>>) dst(%arg6 : memref<400xi32, #tpu.memory_space<vmem>>)
        tpu.yield
      }) : () -> ()
      %scan3A_198 = arith.constant 0 : i32
      %scan3A_199 = arith.constant 25 : i32
      %scan3A_200 = arith.addi %scan3A_198, %scan3A_199 : i32
      %scan3A_201 = arith.constant 1 : i32
      %scan3A_202:19 = scf.for %scan3A_204 = %scan3A_198 to %scan3A_200 step %scan3A_201 iter_args(%scan3A_205 = %scan3A_176, %scan3A_206 = %scan3A_177, %scan3A_207 = %scan3A_178, %scan3A_208 = %scan3A_179, %scan3A_209 = %scan3A_180, %scan3A_210 = %scan3A_181, %scan3A_211 = %scan3A_182, %scan3A_212 = %scan3A_183, %scan3A_213 = %scan3A_184, %scan3A_214 = %scan3A_185, %scan3A_215 = %scan3A_186, %scan3A_216 = %scan3A_187, %scan3A_217 = %scan3A_188, %scan3A_218 = %scan3A_189, %scan3A_219 = %scan3A_190, %scan3A_220 = %scan3A_191, %scan3A_221 = %scan3A_192, %scan3A_222 = %scan3A_193, %scan3A_223 = %scan3A_194) -> (vector<16xf32>, vector<16xf32>, vector<16xf32>, vector<16xf32>, vector<16xf32>, vector<16xf32>, vector<16xf32>, vector<16xf32>, vector<16xf32>, vector<16xf32>, vector<16xf32>, vector<16xf32>, vector<16xf32>, vector<16xf32>, vector<16xf32>, vector<16xf32>, vector<16xf32>, vector<16xf32>, vector<16xf32>)  : i32 {
        %mul3A_224 = arith.constant 16 : i32
        %mul3A_225 = arith.muli %mul3A_224, %scan3A_204 : i32
        %get3A = arith.index_cast %mul3A_225 : i32 to index
        %get3A_226 = tpu.vector_load %arg6[%get3A] {strides = array<i32>} : memref<400xi32, #tpu.memory_space<vmem>>, vector<16xi32>,
        %get3A_227 = vector.shape_cast %get3A_226 : vector<16xi32> to vector<16xi32>
        %scan3A_228 = arith.constant 0 : i32
        %scan3A_229 = arith.constant 16 : i32
        %scan3A_230 = arith.addi %scan3A_228, %scan3A_229 : i32
        %scan3A_231 = arith.constant 1 : i32
        %scan3A_232:19 = scf.for %scan3A_234 = %scan3A_228 to %scan3A_230 step %scan3A_231 iter_args(%scan3A_235 = %scan3A_205, %scan3A_236 = %scan3A_206, %scan3A_237 = %scan3A_207, %scan3A_238 = %scan3A_208, %scan3A_239 = %scan3A_209, %scan3A_240 = %scan3A_210, %scan3A_241 = %scan3A_211, %scan3A_242 = %scan3A_212, %scan3A_243 = %scan3A_213, %scan3A_244 = %scan3A_214, %scan3A_245 = %scan3A_215, %scan3A_246 = %scan3A_216, %scan3A_247 = %scan3A_217, %scan3A_248 = %scan3A_218, %scan3A_249 = %scan3A_219, %scan3A_250 = %scan3A_220, %scan3A_251 = %scan3A_221, %scan3A_252 = %scan3A_222, %scan3A_253 = %scan3A_223) -> (vector<16xf32>, vector<16xf32>, vector<16xf32>, vector<16xf32>, vector<16xf32>, vector<16xf32>, vector<16xf32>, vector<16xf32>, vector<16xf32>, vector<16xf32>, vector<16xf32>, vector<16xf32>, vector<16xf32>, vector<16xf32>, vector<16xf32>, vector<16xf32>, vector<16xf32>, vector<16xf32>, vector<16xf32>)  : i32 {
          %broadcast_in_dim3A_254 = vector.broadcast %scan3A_234 : i32 to vector<16xi32>
          %lt3A = arith.constant 0 : i32
          %lt3A_255 = vector.broadcast %lt3A : i32 to vector<16xi32>
          %lt3A_256 = arith.cmpi slt, %broadcast_in_dim3A_254, %lt3A_255 : vector<16xi32>
          %add3A_257 = arith.constant 16 : i32
          %add3A_258 = vector.broadcast %add3A_257 : i32 to vector<16xi32>
          %add3A_259 = arith.addi %broadcast_in_dim3A_254, %add3A_258 : vector<16xi32>
          %select_n3A = arith.select %lt3A_256, %add3A_259, %broadcast_in_dim3A_254 : vector<16xi1>, vector<16xi32>
          %broadcast_in_dim3A_260 = vector.shape_cast %select_n3A : vector<16xi32> to vector<16x1xi32>
          %gather3A = vector.shape_cast %broadcast_in_dim3A_260 : vector<16x1xi32> to vector<16xi32>
          %gather3A_261 = tpu.dynamic_gather %get3A_227[%gather3A] in [0] : vector<16xi32>, vector<16xi32> -> vector<16xi32>
          %mul3A_262 = arith.constant 16 : i32
          %mul3A_263 = arith.muli %scan3A_204, %mul3A_262 : i32
          %add3A_264 = arith.addi %mul3A_263, %scan3A_234 : i32
          %get3A_265 = arith.index_cast %add3A_264 : i32 to index
          %get3A_266 = arith.constant 0 : index
          %get3A_267 = tpu.vector_load %arg5[%get3A_265, %get3A_266] {strides = array<i32>} : memref<400x80xf32, #tpu.memory_space<vmem>>, vector<1x16xf32>,
          %get3A_268 = vector.shape_cast %get3A_267 : vector<1x16xf32> to vector<16xf32>
          %eq3A = arith.cmpi eq, %add3A_7, %gather3A_261 : vector<16xi32>
          %neg3A = arith.constant 0.000000e+00 : f32
          %neg3A_269 = vector.broadcast %neg3A : f32 to vector<16xf32>
          %neg3A_270 = arith.subf %neg3A_269, %get3A_268 : vector<16xf32>
          %select_n3A_271 = arith.select %eq3A, %neg3A_270, %get3A_268 : vector<16xi1>, vector<16xf32>
          %abs3A = math.absf %select_n3A_271 : vector<16xf32>
          %neg3A_272 = arith.constant 0.000000e+00 : f32
          %neg3A_273 = vector.broadcast %neg3A_272 : f32 to vector<16xf32>
          %neg3A_274 = arith.subf %neg3A_273, %abs3A : vector<16xf32>
          %exp3A = math.exp %neg3A_274 : vector<16xf32>
          %mul3A_275 = arith.constant 0.0101190833 : f32
          %mul3A_276 = vector.broadcast %mul3A_275 : f32 to vector<16xf32>
          %mul3A_277 = arith.mulf %mul3A_276, %exp3A : vector<16xf32>
          %add3A_278 = arith.constant -0.0526248515 : f32
          %add3A_279 = vector.broadcast %add3A_278 : f32 to vector<16xf32>
          %add3A_280 = arith.addf %mul3A_277, %add3A_279 : vector<16xf32>
          %mul3A_281 = arith.mulf %add3A_280, %exp3A : vector<16xf32>
          %add3A_282 = arith.constant 0.130765036 : f32
          %add3A_283 = vector.broadcast %add3A_282 : f32 to vector<16xf32>
          %add3A_284 = arith.addf %mul3A_281, %add3A_283 : vector<16xf32>
          %mul3A_285 = arith.mulf %add3A_284, %exp3A : vector<16xf32>
          %add3A_286 = arith.constant -0.222836256 : f32
          %add3A_287 = vector.broadcast %add3A_286 : f32 to vector<16xf32>
          %add3A_288 = arith.addf %mul3A_285, %add3A_287 : vector<16xf32>
          %mul3A_289 = arith.mulf %add3A_288, %exp3A : vector<16xf32>
          %add3A_290 = arith.constant 0.32697311 : f32
          %add3A_291 = vector.broadcast %add3A_290 : f32 to vector<16xf32>
          %add3A_292 = arith.addf %mul3A_289, %add3A_291 : vector<16xf32>
          %mul3A_293 = arith.mulf %add3A_292, %exp3A : vector<16xf32>
          %add3A_294 = arith.constant -0.499206573 : f32
          %add3A_295 = vector.broadcast %add3A_294 : f32 to vector<16xf32>
          %add3A_296 = arith.addf %mul3A_293, %add3A_295 : vector<16xf32>
          %mul3A_297 = arith.mulf %add3A_296, %exp3A : vector<16xf32>
          %add3A_298 = arith.constant 0.999957501 : f32
          %add3A_299 = vector.broadcast %add3A_298 : f32 to vector<16xf32>
          %add3A_300 = arith.addf %mul3A_297, %add3A_299 : vector<16xf32>
          %mul3A_301 = arith.mulf %add3A_300, %exp3A : vector<16xf32>
          %add3A_302 = arith.constant 5.62195908E-7 : f32
          %add3A_303 = vector.broadcast %add3A_302 : f32 to vector<16xf32>
          %add3A_304 = arith.addf %mul3A_301, %add3A_303 : vector<16xf32>
          %max3A = arith.constant 0.000000e+00 : f32
          %max3A_305 = vector.broadcast %max3A : f32 to vector<16xf32>
          %max3A_306 = arith.maximumf %select_n3A_271, %max3A_305 : vector<16xf32>
          %add3A_307 = arith.addf %max3A_306, %add3A_304 : vector<16xf32>
          %add3A_308 = arith.addf %scan3A_235, %add3A_307 : vector<16xf32>
          %ge3A = arith.constant -2.19722462 : f32
          %ge3A_309 = vector.broadcast %ge3A : f32 to vector<16xf32>
          %ge3A_310 = arith.cmpf oge, %select_n3A_271, %ge3A_309 : vector<16xf32>
          %jit3A = arith.constant 1.000000e+00 : f32
          %jit3A_311 = arith.constant 0.000000e+00 : f32
          %broadcast_in_dim3A_312 = vector.broadcast %jit3A : f32 to vector<16xf32>
          %broadcast_in_dim3A_313 = vector.broadcast %jit3A_311 : f32 to vector<16xf32>
          %select_n3A_314 = arith.select %ge3A_310, %broadcast_in_dim3A_312, %broadcast_in_dim3A_313 : vector<16xi1>, vector<16xf32>
          %add3A_315 = arith.addf %scan3A_236, %select_n3A_314 : vector<16xf32>
          %jit3A_316 = arith.constant 0.000000e+00 : f32
          %broadcast_in_dim3A_317 = vector.broadcast %jit3A_316 : f32 to vector<16xf32>
          %select_n3A_318 = arith.select %ge3A_310, %add3A_307, %broadcast_in_dim3A_317 : vector<16xi1>, vector<16xf32>
          %add3A_319 = arith.addf %scan3A_237, %select_n3A_318 : vector<16xf32>
          %ge3A_320 = arith.constant -1.38629436 : f32
          %ge3A_321 = vector.broadcast %ge3A_320 : f32 to vector<16xf32>
          %ge3A_322 = arith.cmpf oge, %select_n3A_271, %ge3A_321 : vector<16xf32>
          %jit3A_323 = arith.constant 1.000000e+00 : f32
          %jit3A_324 = arith.constant 0.000000e+00 : f32
          %broadcast_in_dim3A_325 = vector.broadcast %jit3A_323 : f32 to vector<16xf32>
          %broadcast_in_dim3A_326 = vector.broadcast %jit3A_324 : f32 to vector<16xf32>
          %select_n3A_327 = arith.select %ge3A_322, %broadcast_in_dim3A_325, %broadcast_in_dim3A_326 : vector<16xi1>, vector<16xf32>
          %add3A_328 = arith.addf %scan3A_238, %select_n3A_327 : vector<16xf32>
          %jit3A_329 = arith.constant 0.000000e+00 : f32
          %broadcast_in_dim3A_330 = vector.broadcast %jit3A_329 : f32 to vector<16xf32>
          %select_n3A_331 = arith.select %ge3A_322, %add3A_307, %broadcast_in_dim3A_330 : vector<16xi1>, vector<16xf32>
          %add3A_332 = arith.addf %scan3A_239, %select_n3A_331 : vector<16xf32>
          %ge3A_333 = arith.constant -0.847297847 : f32
          %ge3A_334 = vector.broadcast %ge3A_333 : f32 to vector<16xf32>
          %ge3A_335 = arith.cmpf oge, %select_n3A_271, %ge3A_334 : vector<16xf32>
          %jit3A_336 = arith.constant 1.000000e+00 : f32
          %jit3A_337 = arith.constant 0.000000e+00 : f32
          %broadcast_in_dim3A_338 = vector.broadcast %jit3A_336 : f32 to vector<16xf32>
          %broadcast_in_dim3A_339 = vector.broadcast %jit3A_337 : f32 to vector<16xf32>
          %select_n3A_340 = arith.select %ge3A_335, %broadcast_in_dim3A_338, %broadcast_in_dim3A_339 : vector<16xi1>, vector<16xf32>
          %add3A_341 = arith.addf %scan3A_240, %select_n3A_340 : vector<16xf32>
          %jit3A_342 = arith.constant 0.000000e+00 : f32
          %broadcast_in_dim3A_343 = vector.broadcast %jit3A_342 : f32 to vector<16xf32>
          %select_n3A_344 = arith.select %ge3A_335, %add3A_307, %broadcast_in_dim3A_343 : vector<16xi1>, vector<16xf32>
          %add3A_345 = arith.addf %scan3A_241, %select_n3A_344 : vector<16xf32>
          %ge3A_346 = arith.constant -0.405465096 : f32
          %ge3A_347 = vector.broadcast %ge3A_346 : f32 to vector<16xf32>
          %ge3A_348 = arith.cmpf oge, %select_n3A_271, %ge3A_347 : vector<16xf32>
          %jit3A_349 = arith.constant 1.000000e+00 : f32
          %jit3A_350 = arith.constant 0.000000e+00 : f32
          %broadcast_in_dim3A_351 = vector.broadcast %jit3A_349 : f32 to vector<16xf32>
          %broadcast_in_dim3A_352 = vector.broadcast %jit3A_350 : f32 to vector<16xf32>
          %select_n3A_353 = arith.select %ge3A_348, %broadcast_in_dim3A_351, %broadcast_in_dim3A_352 : vector<16xi1>, vector<16xf32>
          %add3A_354 = arith.addf %scan3A_242, %select_n3A_353 : vector<16xf32>
          %jit3A_355 = arith.constant 0.000000e+00 : f32
          %broadcast_in_dim3A_356 = vector.broadcast %jit3A_355 : f32 to vector<16xf32>
          %select_n3A_357 = arith.select %ge3A_348, %add3A_307, %broadcast_in_dim3A_356 : vector<16xi1>, vector<16xf32>
          %add3A_358 = arith.addf %scan3A_243, %select_n3A_357 : vector<16xf32>
          %ge3A_359 = arith.constant 0.000000e+00 : f32
          %ge3A_360 = vector.broadcast %ge3A_359 : f32 to vector<16xf32>
          %ge3A_361 = arith.cmpf oge, %select_n3A_271, %ge3A_360 : vector<16xf32>
          %jit3A_362 = arith.constant 1.000000e+00 : f32
          %jit3A_363 = arith.constant 0.000000e+00 : f32
          %broadcast_in_dim3A_364 = vector.broadcast %jit3A_362 : f32 to vector<16xf32>
          %broadcast_in_dim3A_365 = vector.broadcast %jit3A_363 : f32 to vector<16xf32>
          %select_n3A_366 = arith.select %ge3A_361, %broadcast_in_dim3A_364, %broadcast_in_dim3A_365 : vector<16xi1>, vector<16xf32>
          %add3A_367 = arith.addf %scan3A_244, %select_n3A_366 : vector<16xf32>
          %jit3A_368 = arith.constant 0.000000e+00 : f32
          %broadcast_in_dim3A_369 = vector.broadcast %jit3A_368 : f32 to vector<16xf32>
          %select_n3A_370 = arith.select %ge3A_361, %add3A_307, %broadcast_in_dim3A_369 : vector<16xi1>, vector<16xf32>
          %add3A_371 = arith.addf %scan3A_245, %select_n3A_370 : vector<16xf32>
          %ge3A_372 = arith.constant 0.405465096 : f32
          %ge3A_373 = vector.broadcast %ge3A_372 : f32 to vector<16xf32>
          %ge3A_374 = arith.cmpf oge, %select_n3A_271, %ge3A_373 : vector<16xf32>
          %jit3A_375 = arith.constant 1.000000e+00 : f32
          %jit3A_376 = arith.constant 0.000000e+00 : f32
          %broadcast_in_dim3A_377 = vector.broadcast %jit3A_375 : f32 to vector<16xf32>
          %broadcast_in_dim3A_378 = vector.broadcast %jit3A_376 : f32 to vector<16xf32>
          %select_n3A_379 = arith.select %ge3A_374, %broadcast_in_dim3A_377, %broadcast_in_dim3A_378 : vector<16xi1>, vector<16xf32>
          %add3A_380 = arith.addf %scan3A_246, %select_n3A_379 : vector<16xf32>
          %jit3A_381 = arith.constant 0.000000e+00 : f32
          %broadcast_in_dim3A_382 = vector.broadcast %jit3A_381 : f32 to vector<16xf32>
          %select_n3A_383 = arith.select %ge3A_374, %add3A_307, %broadcast_in_dim3A_382 : vector<16xi1>, vector<16xf32>
          %add3A_384 = arith.addf %scan3A_247, %select_n3A_383 : vector<16xf32>
          %ge3A_385 = arith.constant 0.847297847 : f32
          %ge3A_386 = vector.broadcast %ge3A_385 : f32 to vector<16xf32>
          %ge3A_387 = arith.cmpf oge, %select_n3A_271, %ge3A_386 : vector<16xf32>
          %jit3A_388 = arith.constant 1.000000e+00 : f32
          %jit3A_389 = arith.constant 0.000000e+00 : f32
          %broadcast_in_dim3A_390 = vector.broadcast %jit3A_388 : f32 to vector<16xf32>
          %broadcast_in_dim3A_391 = vector.broadcast %jit3A_389 : f32 to vector<16xf32>
          %select_n3A_392 = arith.select %ge3A_387, %broadcast_in_dim3A_390, %broadcast_in_dim3A_391 : vector<16xi1>, vector<16xf32>
          %add3A_393 = arith.addf %scan3A_248, %select_n3A_392 : vector<16xf32>
          %jit3A_394 = arith.constant 0.000000e+00 : f32
          %broadcast_in_dim3A_395 = vector.broadcast %jit3A_394 : f32 to vector<16xf32>
          %select_n3A_396 = arith.select %ge3A_387, %add3A_307, %broadcast_in_dim3A_395 : vector<16xi1>, vector<16xf32>
          %add3A_397 = arith.addf %scan3A_249, %select_n3A_396 : vector<16xf32>
          %ge3A_398 = arith.constant 1.38629436 : f32
          %ge3A_399 = vector.broadcast %ge3A_398 : f32 to vector<16xf32>
          %ge3A_400 = arith.cmpf oge, %select_n3A_271, %ge3A_399 : vector<16xf32>
          %jit3A_401 = arith.constant 1.000000e+00 : f32
          %jit3A_402 = arith.constant 0.000000e+00 : f32
          %broadcast_in_dim3A_403 = vector.broadcast %jit3A_401 : f32 to vector<16xf32>
          %broadcast_in_dim3A_404 = vector.broadcast %jit3A_402 : f32 to vector<16xf32>
          %select_n3A_405 = arith.select %ge3A_400, %broadcast_in_dim3A_403, %broadcast_in_dim3A_404 : vector<16xi1>, vector<16xf32>
          %add3A_406 = arith.addf %scan3A_250, %select_n3A_405 : vector<16xf32>
          %jit3A_407 = arith.constant 0.000000e+00 : f32
          %broadcast_in_dim3A_408 = vector.broadcast %jit3A_407 : f32 to vector<16xf32>
          %select_n3A_409 = arith.select %ge3A_400, %add3A_307, %broadcast_in_dim3A_408 : vector<16xi1>, vector<16xf32>
          %add3A_410 = arith.addf %scan3A_251, %select_n3A_409 : vector<16xf32>
          %ge3A_411 = arith.constant 2.19722462 : f32
          %ge3A_412 = vector.broadcast %ge3A_411 : f32 to vector<16xf32>
          %ge3A_413 = arith.cmpf oge, %select_n3A_271, %ge3A_412 : vector<16xf32>
          %jit3A_414 = arith.constant 1.000000e+00 : f32
          %jit3A_415 = arith.constant 0.000000e+00 : f32
          %broadcast_in_dim3A_416 = vector.broadcast %jit3A_414 : f32 to vector<16xf32>
          %broadcast_in_dim3A_417 = vector.broadcast %jit3A_415 : f32 to vector<16xf32>
          %select_n3A_418 = arith.select %ge3A_413, %broadcast_in_dim3A_416, %broadcast_in_dim3A_417 : vector<16xi1>, vector<16xf32>
          %add3A_419 = arith.addf %scan3A_252, %select_n3A_418 : vector<16xf32>
          %jit3A_420 = arith.constant 0.000000e+00 : f32
          %broadcast_in_dim3A_421 = vector.broadcast %jit3A_420 : f32 to vector<16xf32>
          %select_n3A_422 = arith.select %ge3A_413, %add3A_307, %broadcast_in_dim3A_421 : vector<16xi1>, vector<16xf32>
          %add3A_423 = arith.addf %scan3A_253, %select_n3A_422 : vector<16xf32>
          %get3A_424 = arith.index_cast %add3A_264 : i32 to index
          %get3A_425 = arith.constant 16 : index
          %get3A_426 = tpu.vector_load %arg5[%get3A_424, %get3A_425] {strides = array<i32>} : memref<400x80xf32, #tpu.memory_space<vmem>>, vector<1x16xf32>,
          %get3A_427 = vector.shape_cast %get3A_426 : vector<1x16xf32> to vector<16xf32>
          %eq3A_428 = arith.cmpi eq, %add3A_10, %gather3A_261 : vector<16xi32>
          %neg3A_429 = arith.constant 0.000000e+00 : f32
          %neg3A_430 = vector.broadcast %neg3A_429 : f32 to vector<16xf32>
          %neg3A_431 = arith.subf %neg3A_430, %get3A_427 : vector<16xf32>
          %select_n3A_432 = arith.select %eq3A_428, %neg3A_431, %get3A_427 : vector<16xi1>, vector<16xf32>
          %abs3A_433 = math.absf %select_n3A_432 : vector<16xf32>
          %neg3A_434 = arith.constant 0.000000e+00 : f32
          %neg3A_435 = vector.broadcast %neg3A_434 : f32 to vector<16xf32>
          %neg3A_436 = arith.subf %neg3A_435, %abs3A_433 : vector<16xf32>
          %exp3A_437 = math.exp %neg3A_436 : vector<16xf32>
          %mul3A_438 = arith.constant 0.0101190833 : f32
          %mul3A_439 = vector.broadcast %mul3A_438 : f32 to vector<16xf32>
          %mul3A_440 = arith.mulf %mul3A_439, %exp3A_437 : vector<16xf32>
          %add3A_441 = arith.constant -0.0526248515 : f32
          %add3A_442 = vector.broadcast %add3A_441 : f32 to vector<16xf32>
          %add3A_443 = arith.addf %mul3A_440, %add3A_442 : vector<16xf32>
          %mul3A_444 = arith.mulf %add3A_443, %exp3A_437 : vector<16xf32>
          %add3A_445 = arith.constant 0.130765036 : f32
          %add3A_446 = vector.broadcast %add3A_445 : f32 to vector<16xf32>
          %add3A_447 = arith.addf %mul3A_444, %add3A_446 : vector<16xf32>
          %mul3A_448 = arith.mulf %add3A_447, %exp3A_437 : vector<16xf32>
          %add3A_449 = arith.constant -0.222836256 : f32
          %add3A_450 = vector.broadcast %add3A_449 : f32 to vector<16xf32>
          %add3A_451 = arith.addf %mul3A_448, %add3A_450 : vector<16xf32>
          %mul3A_452 = arith.mulf %add3A_451, %exp3A_437 : vector<16xf32>
          %add3A_453 = arith.constant 0.32697311 : f32
          %add3A_454 = vector.broadcast %add3A_453 : f32 to vector<16xf32>
          %add3A_455 = arith.addf %mul3A_452, %add3A_454 : vector<16xf32>
          %mul3A_456 = arith.mulf %add3A_455, %exp3A_437 : vector<16xf32>
          %add3A_457 = arith.constant -0.499206573 : f32
          %add3A_458 = vector.broadcast %add3A_457 : f32 to vector<16xf32>
          %add3A_459 = arith.addf %mul3A_456, %add3A_458 : vector<16xf32>
          %mul3A_460 = arith.mulf %add3A_459, %exp3A_437 : vector<16xf32>
          %add3A_461 = arith.constant 0.999957501 : f32
          %add3A_462 = vector.broadcast %add3A_461 : f32 to vector<16xf32>
          %add3A_463 = arith.addf %mul3A_460, %add3A_462 : vector<16xf32>
          %mul3A_464 = arith.mulf %add3A_463, %exp3A_437 : vector<16xf32>
          %add3A_465 = arith.constant 5.62195908E-7 : f32
          %add3A_466 = vector.broadcast %add3A_465 : f32 to vector<16xf32>
          %add3A_467 = arith.addf %mul3A_464, %add3A_466 : vector<16xf32>
          %max3A_468 = arith.constant 0.000000e+00 : f32
          %max3A_469 = vector.broadcast %max3A_468 : f32 to vector<16xf32>
          %max3A_470 = arith.maximumf %select_n3A_432, %max3A_469 : vector<16xf32>
          %add3A_471 = arith.addf %max3A_470, %add3A_467 : vector<16xf32>
          %add3A_472 = arith.addf %add3A_308, %add3A_471 : vector<16xf32>
          %ge3A_473 = arith.constant -2.19722462 : f32
          %ge3A_474 = vector.broadcast %ge3A_473 : f32 to vector<16xf32>
          %ge3A_475 = arith.cmpf oge, %select_n3A_432, %ge3A_474 : vector<16xf32>
          %jit3A_476 = arith.constant 1.000000e+00 : f32
          %jit3A_477 = arith.constant 0.000000e+00 : f32
          %broadcast_in_dim3A_478 = vector.broadcast %jit3A_476 : f32 to vector<16xf32>
          %broadcast_in_dim3A_479 = vector.broadcast %jit3A_477 : f32 to vector<16xf32>
          %select_n3A_480 = arith.select %ge3A_475, %broadcast_in_dim3A_478, %broadcast_in_dim3A_479 : vector<16xi1>, vector<16xf32>
          %add3A_481 = arith.addf %add3A_315, %select_n3A_480 : vector<16xf32>
          %jit3A_482 = arith.constant 0.000000e+00 : f32
          %broadcast_in_dim3A_483 = vector.broadcast %jit3A_482 : f32 to vector<16xf32>
          %select_n3A_484 = arith.select %ge3A_475, %add3A_471, %broadcast_in_dim3A_483 : vector<16xi1>, vector<16xf32>
          %add3A_485 = arith.addf %add3A_319, %select_n3A_484 : vector<16xf32>
          %ge3A_486 = arith.constant -1.38629436 : f32
          %ge3A_487 = vector.broadcast %ge3A_486 : f32 to vector<16xf32>
          %ge3A_488 = arith.cmpf oge, %select_n3A_432, %ge3A_487 : vector<16xf32>
          %jit3A_489 = arith.constant 1.000000e+00 : f32
          %jit3A_490 = arith.constant 0.000000e+00 : f32
          %broadcast_in_dim3A_491 = vector.broadcast %jit3A_489 : f32 to vector<16xf32>
          %broadcast_in_dim3A_492 = vector.broadcast %jit3A_490 : f32 to vector<16xf32>
          %select_n3A_493 = arith.select %ge3A_488, %broadcast_in_dim3A_491, %broadcast_in_dim3A_492 : vector<16xi1>, vector<16xf32>
          %add3A_494 = arith.addf %add3A_328, %select_n3A_493 : vector<16xf32>
          %jit3A_495 = arith.constant 0.000000e+00 : f32
          %broadcast_in_dim3A_496 = vector.broadcast %jit3A_495 : f32 to vector<16xf32>
          %select_n3A_497 = arith.select %ge3A_488, %add3A_471, %broadcast_in_dim3A_496 : vector<16xi1>, vector<16xf32>
          %add3A_498 = arith.addf %add3A_332, %select_n3A_497 : vector<16xf32>
          %ge3A_499 = arith.constant -0.847297847 : f32
          %ge3A_500 = vector.broadcast %ge3A_499 : f32 to vector<16xf32>
          %ge3A_501 = arith.cmpf oge, %select_n3A_432, %ge3A_500 : vector<16xf32>
          %jit3A_502 = arith.constant 1.000000e+00 : f32
          %jit3A_503 = arith.constant 0.000000e+00 : f32
          %broadcast_in_dim3A_504 = vector.broadcast %jit3A_502 : f32 to vector<16xf32>
          %broadcast_in_dim3A_505 = vector.broadcast %jit3A_503 : f32 to vector<16xf32>
          %select_n3A_506 = arith.select %ge3A_501, %broadcast_in_dim3A_504, %broadcast_in_dim3A_505 : vector<16xi1>, vector<16xf32>
          %add3A_507 = arith.addf %add3A_341, %select_n3A_506 : vector<16xf32>
          %jit3A_508 = arith.constant 0.000000e+00 : f32
          %broadcast_in_dim3A_509 = vector.broadcast %jit3A_508 : f32 to vector<16xf32>
          %select_n3A_510 = arith.select %ge3A_501, %add3A_471, %broadcast_in_dim3A_509 : vector<16xi1>, vector<16xf32>
          %add3A_511 = arith.addf %add3A_345, %select_n3A_510 : vector<16xf32>
          %ge3A_512 = arith.constant -0.405465096 : f32
          %ge3A_513 = vector.broadcast %ge3A_512 : f32 to vector<16xf32>
          %ge3A_514 = arith.cmpf oge, %select_n3A_432, %ge3A_513 : vector<16xf32>
          %jit3A_515 = arith.constant 1.000000e+00 : f32
          %jit3A_516 = arith.constant 0.000000e+00 : f32
          %broadcast_in_dim3A_517 = vector.broadcast %jit3A_515 : f32 to vector<16xf32>
          %broadcast_in_dim3A_518 = vector.broadcast %jit3A_516 : f32 to vector<16xf32>
          %select_n3A_519 = arith.select %ge3A_514, %broadcast_in_dim3A_517, %broadcast_in_dim3A_518 : vector<16xi1>, vector<16xf32>
          %add3A_520 = arith.addf %add3A_354, %select_n3A_519 : vector<16xf32>
          %jit3A_521 = arith.constant 0.000000e+00 : f32
          %broadcast_in_dim3A_522 = vector.broadcast %jit3A_521 : f32 to vector<16xf32>
          %select_n3A_523 = arith.select %ge3A_514, %add3A_471, %broadcast_in_dim3A_522 : vector<16xi1>, vector<16xf32>
          %add3A_524 = arith.addf %add3A_358, %select_n3A_523 : vector<16xf32>
          %ge3A_525 = arith.constant 0.000000e+00 : f32
          %ge3A_526 = vector.broadcast %ge3A_525 : f32 to vector<16xf32>
          %ge3A_527 = arith.cmpf oge, %select_n3A_432, %ge3A_526 : vector<16xf32>
          %jit3A_528 = arith.constant 1.000000e+00 : f32
          %jit3A_529 = arith.constant 0.000000e+00 : f32
          %broadcast_in_dim3A_530 = vector.broadcast %jit3A_528 : f32 to vector<16xf32>
          %broadcast_in_dim3A_531 = vector.broadcast %jit3A_529 : f32 to vector<16xf32>
          %select_n3A_532 = arith.select %ge3A_527, %broadcast_in_dim3A_530, %broadcast_in_dim3A_531 : vector<16xi1>, vector<16xf32>
          %add3A_533 = arith.addf %add3A_367, %select_n3A_532 : vector<16xf32>
          %jit3A_534 = arith.constant 0.000000e+00 : f32
          %broadcast_in_dim3A_535 = vector.broadcast %jit3A_534 : f32 to vector<16xf32>
          %select_n3A_536 = arith.select %ge3A_527, %add3A_471, %broadcast_in_dim3A_535 : vector<16xi1>, vector<16xf32>
          %add3A_537 = arith.addf %add3A_371, %select_n3A_536 : vector<16xf32>
          %ge3A_538 = arith.constant 0.405465096 : f32
          %ge3A_539 = vector.broadcast %ge3A_538 : f32 to vector<16xf32>
          %ge3A_540 = arith.cmpf oge, %select_n3A_432, %ge3A_539 : vector<16xf32>
          %jit3A_541 = arith.constant 1.000000e+00 : f32
          %jit3A_542 = arith.constant 0.000000e+00 : f32
          %broadcast_in_dim3A_543 = vector.broadcast %jit3A_541 : f32 to vector<16xf32>
          %broadcast_in_dim3A_544 = vector.broadcast %jit3A_542 : f32 to vector<16xf32>
          %select_n3A_545 = arith.select %ge3A_540, %broadcast_in_dim3A_543, %broadcast_in_dim3A_544 : vector<16xi1>, vector<16xf32>
          %add3A_546 = arith.addf %add3A_380, %select_n3A_545 : vector<16xf32>
          %jit3A_547 = arith.constant 0.000000e+00 : f32
          %broadcast_in_dim3A_548 = vector.broadcast %jit3A_547 : f32 to vector<16xf32>
          %select_n3A_549 = arith.select %ge3A_540, %add3A_471, %broadcast_in_dim3A_548 : vector<16xi1>, vector<16xf32>
          %add3A_550 = arith.addf %add3A_384, %select_n3A_549 : vector<16xf32>
          %ge3A_551 = arith.constant 0.847297847 : f32
          %ge3A_552 = vector.broadcast %ge3A_551 : f32 to vector<16xf32>
          %ge3A_553 = arith.cmpf oge, %select_n3A_432, %ge3A_552 : vector<16xf32>
          %jit3A_554 = arith.constant 1.000000e+00 : f32
          %jit3A_555 = arith.constant 0.000000e+00 : f32
          %broadcast_in_dim3A_556 = vector.broadcast %jit3A_554 : f32 to vector<16xf32>
          %broadcast_in_dim3A_557 = vector.broadcast %jit3A_555 : f32 to vector<16xf32>
          %select_n3A_558 = arith.select %ge3A_553, %broadcast_in_dim3A_556, %broadcast_in_dim3A_557 : vector<16xi1>, vector<16xf32>
          %add3A_559 = arith.addf %add3A_393, %select_n3A_558 : vector<16xf32>
          %jit3A_560 = arith.constant 0.000000e+00 : f32
          %broadcast_in_dim3A_561 = vector.broadcast %jit3A_560 : f32 to vector<16xf32>
          %select_n3A_562 = arith.select %ge3A_553, %add3A_471, %broadcast_in_dim3A_561 : vector<16xi1>, vector<16xf32>
          %add3A_563 = arith.addf %add3A_397, %select_n3A_562 : vector<16xf32>
          %ge3A_564 = arith.constant 1.38629436 : f32
          %ge3A_565 = vector.broadcast %ge3A_564 : f32 to vector<16xf32>
          %ge3A_566 = arith.cmpf oge, %select_n3A_432, %ge3A_565 : vector<16xf32>
          %jit3A_567 = arith.constant 1.000000e+00 : f32
          %jit3A_568 = arith.constant 0.000000e+00 : f32
          %broadcast_in_dim3A_569 = vector.broadcast %jit3A_567 : f32 to vector<16xf32>
          %broadcast_in_dim3A_570 = vector.broadcast %jit3A_568 : f32 to vector<16xf32>
          %select_n3A_571 = arith.select %ge3A_566, %broadcast_in_dim3A_569, %broadcast_in_dim3A_570 : vector<16xi1>, vector<16xf32>
          %add3A_572 = arith.addf %add3A_406, %select_n3A_571 : vector<16xf32>
          %jit3A_573 = arith.constant 0.000000e+00 : f32
          %broadcast_in_dim3A_574 = vector.broadcast %jit3A_573 : f32 to vector<16xf32>
          %select_n3A_575 = arith.select %ge3A_566, %add3A_471, %broadcast_in_dim3A_574 : vector<16xi1>, vector<16xf32>
          %add3A_576 = arith.addf %add3A_410, %select_n3A_575 : vector<16xf32>
          %ge3A_577 = arith.constant 2.19722462 : f32
          %ge3A_578 = vector.broadcast %ge3A_577 : f32 to vector<16xf32>
          %ge3A_579 = arith.cmpf oge, %select_n3A_432, %ge3A_578 : vector<16xf32>
          %jit3A_580 = arith.constant 1.000000e+00 : f32
          %jit3A_581 = arith.constant 0.000000e+00 : f32
          %broadcast_in_dim3A_582 = vector.broadcast %jit3A_580 : f32 to vector<16xf32>
          %broadcast_in_dim3A_583 = vector.broadcast %jit3A_581 : f32 to vector<16xf32>
          %select_n3A_584 = arith.select %ge3A_579, %broadcast_in_dim3A_582, %broadcast_in_dim3A_583 : vector<16xi1>, vector<16xf32>
          %add3A_585 = arith.addf %add3A_419, %select_n3A_584 : vector<16xf32>
          %jit3A_586 = arith.constant 0.000000e+00 : f32
          %broadcast_in_dim3A_587 = vector.broadcast %jit3A_586 : f32 to vector<16xf32>
          %select_n3A_588 = arith.select %ge3A_579, %add3A_471, %broadcast_in_dim3A_587 : vector<16xi1>, vector<16xf32>
          %add3A_589 = arith.addf %add3A_423, %select_n3A_588 : vector<16xf32>
          %get3A_590 = arith.index_cast %add3A_264 : i32 to index
          %get3A_591 = arith.constant 32 : index
          %get3A_592 = tpu.vector_load %arg5[%get3A_590, %get3A_591] {strides = array<i32>} : memref<400x80xf32, #tpu.memory_space<vmem>>, vector<1x16xf32>,
          %get3A_593 = vector.shape_cast %get3A_592 : vector<1x16xf32> to vector<16xf32>
          %eq3A_594 = arith.cmpi eq, %add3A_13, %gather3A_261 : vector<16xi32>
          %neg3A_595 = arith.constant 0.000000e+00 : f32
          %neg3A_596 = vector.broadcast %neg3A_595 : f32 to vector<16xf32>
          %neg3A_597 = arith.subf %neg3A_596, %get3A_593 : vector<16xf32>
          %select_n3A_598 = arith.select %eq3A_594, %neg3A_597, %get3A_593 : vector<16xi1>, vector<16xf32>
          %abs3A_599 = math.absf %select_n3A_598 : vector<16xf32>
          %neg3A_600 = arith.constant 0.000000e+00 : f32
          %neg3A_601 = vector.broadcast %neg3A_600 : f32 to vector<16xf32>
          %neg3A_602 = arith.subf %neg3A_601, %abs3A_599 : vector<16xf32>
          %exp3A_603 = math.exp %neg3A_602 : vector<16xf32>
          %mul3A_604 = arith.constant 0.0101190833 : f32
          %mul3A_605 = vector.broadcast %mul3A_604 : f32 to vector<16xf32>
          %mul3A_606 = arith.mulf %mul3A_605, %exp3A_603 : vector<16xf32>
          %add3A_607 = arith.constant -0.0526248515 : f32
          %add3A_608 = vector.broadcast %add3A_607 : f32 to vector<16xf32>
          %add3A_609 = arith.addf %mul3A_606, %add3A_608 : vector<16xf32>
          %mul3A_610 = arith.mulf %add3A_609, %exp3A_603 : vector<16xf32>
          %add3A_611 = arith.constant 0.130765036 : f32
          %add3A_612 = vector.broadcast %add3A_611 : f32 to vector<16xf32>
          %add3A_613 = arith.addf %mul3A_610, %add3A_612 : vector<16xf32>
          %mul3A_614 = arith.mulf %add3A_613, %exp3A_603 : vector<16xf32>
          %add3A_615 = arith.constant -0.222836256 : f32
          %add3A_616 = vector.broadcast %add3A_615 : f32 to vector<16xf32>
          %add3A_617 = arith.addf %mul3A_614, %add3A_616 : vector<16xf32>
          %mul3A_618 = arith.mulf %add3A_617, %exp3A_603 : vector<16xf32>
          %add3A_619 = arith.constant 0.32697311 : f32
          %add3A_620 = vector.broadcast %add3A_619 : f32 to vector<16xf32>
          %add3A_621 = arith.addf %mul3A_618, %add3A_620 : vector<16xf32>
          %mul3A_622 = arith.mulf %add3A_621, %exp3A_603 : vector<16xf32>
          %add3A_623 = arith.constant -0.499206573 : f32
          %add3A_624 = vector.broadcast %add3A_623 : f32 to vector<16xf32>
          %add3A_625 = arith.addf %mul3A_622, %add3A_624 : vector<16xf32>
          %mul3A_626 = arith.mulf %add3A_625, %exp3A_603 : vector<16xf32>
          %add3A_627 = arith.constant 0.999957501 : f32
          %add3A_628 = vector.broadcast %add3A_627 : f32 to vector<16xf32>
          %add3A_629 = arith.addf %mul3A_626, %add3A_628 : vector<16xf32>
          %mul3A_630 = arith.mulf %add3A_629, %exp3A_603 : vector<16xf32>
          %add3A_631 = arith.constant 5.62195908E-7 : f32
          %add3A_632 = vector.broadcast %add3A_631 : f32 to vector<16xf32>
          %add3A_633 = arith.addf %mul3A_630, %add3A_632 : vector<16xf32>
          %max3A_634 = arith.constant 0.000000e+00 : f32
          %max3A_635 = vector.broadcast %max3A_634 : f32 to vector<16xf32>
          %max3A_636 = arith.maximumf %select_n3A_598, %max3A_635 : vector<16xf32>
          %add3A_637 = arith.addf %max3A_636, %add3A_633 : vector<16xf32>
          %add3A_638 = arith.addf %add3A_472, %add3A_637 : vector<16xf32>
          %ge3A_639 = arith.constant -2.19722462 : f32
          %ge3A_640 = vector.broadcast %ge3A_639 : f32 to vector<16xf32>
          %ge3A_641 = arith.cmpf oge, %select_n3A_598, %ge3A_640 : vector<16xf32>
          %jit3A_642 = arith.constant 1.000000e+00 : f32
          %jit3A_643 = arith.constant 0.000000e+00 : f32
          %broadcast_in_dim3A_644 = vector.broadcast %jit3A_642 : f32 to vector<16xf32>
          %broadcast_in_dim3A_645 = vector.broadcast %jit3A_643 : f32 to vector<16xf32>
          %select_n3A_646 = arith.select %ge3A_641, %broadcast_in_dim3A_644, %broadcast_in_dim3A_645 : vector<16xi1>, vector<16xf32>
          %add3A_647 = arith.addf %add3A_481, %select_n3A_646 : vector<16xf32>
          %jit3A_648 = arith.constant 0.000000e+00 : f32
          %broadcast_in_dim3A_649 = vector.broadcast %jit3A_648 : f32 to vector<16xf32>
          %select_n3A_650 = arith.select %ge3A_641, %add3A_637, %broadcast_in_dim3A_649 : vector<16xi1>, vector<16xf32>
          %add3A_651 = arith.addf %add3A_485, %select_n3A_650 : vector<16xf32>
          %ge3A_652 = arith.constant -1.38629436 : f32
          %ge3A_653 = vector.broadcast %ge3A_652 : f32 to vector<16xf32>
          %ge3A_654 = arith.cmpf oge, %select_n3A_598, %ge3A_653 : vector<16xf32>
          %jit3A_655 = arith.constant 1.000000e+00 : f32
          %jit3A_656 = arith.constant 0.000000e+00 : f32
          %broadcast_in_dim3A_657 = vector.broadcast %jit3A_655 : f32 to vector<16xf32>
          %broadcast_in_dim3A_658 = vector.broadcast %jit3A_656 : f32 to vector<16xf32>
          %select_n3A_659 = arith.select %ge3A_654, %broadcast_in_dim3A_657, %broadcast_in_dim3A_658 : vector<16xi1>, vector<16xf32>
          %add3A_660 = arith.addf %add3A_494, %select_n3A_659 : vector<16xf32>
          %jit3A_661 = arith.constant 0.000000e+00 : f32
          %broadcast_in_dim3A_662 = vector.broadcast %jit3A_661 : f32 to vector<16xf32>
          %select_n3A_663 = arith.select %ge3A_654, %add3A_637, %broadcast_in_dim3A_662 : vector<16xi1>, vector<16xf32>
          %add3A_664 = arith.addf %add3A_498, %select_n3A_663 : vector<16xf32>
          %ge3A_665 = arith.constant -0.847297847 : f32
          %ge3A_666 = vector.broadcast %ge3A_665 : f32 to vector<16xf32>
          %ge3A_667 = arith.cmpf oge, %select_n3A_598, %ge3A_666 : vector<16xf32>
          %jit3A_668 = arith.constant 1.000000e+00 : f32
          %jit3A_669 = arith.constant 0.000000e+00 : f32
          %broadcast_in_dim3A_670 = vector.broadcast %jit3A_668 : f32 to vector<16xf32>
          %broadcast_in_dim3A_671 = vector.broadcast %jit3A_669 : f32 to vector<16xf32>
          %select_n3A_672 = arith.select %ge3A_667, %broadcast_in_dim3A_670, %broadcast_in_dim3A_671 : vector<16xi1>, vector<16xf32>
          %add3A_673 = arith.addf %add3A_507, %select_n3A_672 : vector<16xf32>
          %jit3A_674 = arith.constant 0.000000e+00 : f32
          %broadcast_in_dim3A_675 = vector.broadcast %jit3A_674 : f32 to vector<16xf32>
          %select_n3A_676 = arith.select %ge3A_667, %add3A_637, %broadcast_in_dim3A_675 : vector<16xi1>, vector<16xf32>
          %add3A_677 = arith.addf %add3A_511, %select_n3A_676 : vector<16xf32>
          %ge3A_678 = arith.constant -0.405465096 : f32
          %ge3A_679 = vector.broadcast %ge3A_678 : f32 to vector<16xf32>
          %ge3A_680 = arith.cmpf oge, %select_n3A_598, %ge3A_679 : vector<16xf32>
          %jit3A_681 = arith.constant 1.000000e+00 : f32
          %jit3A_682 = arith.constant 0.000000e+00 : f32
          %broadcast_in_dim3A_683 = vector.broadcast %jit3A_681 : f32 to vector<16xf32>
          %broadcast_in_dim3A_684 = vector.broadcast %jit3A_682 : f32 to vector<16xf32>
          %select_n3A_685 = arith.select %ge3A_680, %broadcast_in_dim3A_683, %broadcast_in_dim3A_684 : vector<16xi1>, vector<16xf32>
          %add3A_686 = arith.addf %add3A_520, %select_n3A_685 : vector<16xf32>
          %jit3A_687 = arith.constant 0.000000e+00 : f32
          %broadcast_in_dim3A_688 = vector.broadcast %jit3A_687 : f32 to vector<16xf32>
          %select_n3A_689 = arith.select %ge3A_680, %add3A_637, %broadcast_in_dim3A_688 : vector<16xi1>, vector<16xf32>
          %add3A_690 = arith.addf %add3A_524, %select_n3A_689 : vector<16xf32>
          %ge3A_691 = arith.constant 0.000000e+00 : f32
          %ge3A_692 = vector.broadcast %ge3A_691 : f32 to vector<16xf32>
          %ge3A_693 = arith.cmpf oge, %select_n3A_598, %ge3A_692 : vector<16xf32>
          %jit3A_694 = arith.constant 1.000000e+00 : f32
          %jit3A_695 = arith.constant 0.000000e+00 : f32
          %broadcast_in_dim3A_696 = vector.broadcast %jit3A_694 : f32 to vector<16xf32>
          %broadcast_in_dim3A_697 = vector.broadcast %jit3A_695 : f32 to vector<16xf32>
          %select_n3A_698 = arith.select %ge3A_693, %broadcast_in_dim3A_696, %broadcast_in_dim3A_697 : vector<16xi1>, vector<16xf32>
          %add3A_699 = arith.addf %add3A_533, %select_n3A_698 : vector<16xf32>
          %jit3A_700 = arith.constant 0.000000e+00 : f32
          %broadcast_in_dim3A_701 = vector.broadcast %jit3A_700 : f32 to vector<16xf32>
          %select_n3A_702 = arith.select %ge3A_693, %add3A_637, %broadcast_in_dim3A_701 : vector<16xi1>, vector<16xf32>
          %add3A_703 = arith.addf %add3A_537, %select_n3A_702 : vector<16xf32>
          %ge3A_704 = arith.constant 0.405465096 : f32
          %ge3A_705 = vector.broadcast %ge3A_704 : f32 to vector<16xf32>
          %ge3A_706 = arith.cmpf oge, %select_n3A_598, %ge3A_705 : vector<16xf32>
          %jit3A_707 = arith.constant 1.000000e+00 : f32
          %jit3A_708 = arith.constant 0.000000e+00 : f32
          %broadcast_in_dim3A_709 = vector.broadcast %jit3A_707 : f32 to vector<16xf32>
          %broadcast_in_dim3A_710 = vector.broadcast %jit3A_708 : f32 to vector<16xf32>
          %select_n3A_711 = arith.select %ge3A_706, %broadcast_in_dim3A_709, %broadcast_in_dim3A_710 : vector<16xi1>, vector<16xf32>
          %add3A_712 = arith.addf %add3A_546, %select_n3A_711 : vector<16xf32>
          %jit3A_713 = arith.constant 0.000000e+00 : f32
          %broadcast_in_dim3A_714 = vector.broadcast %jit3A_713 : f32 to vector<16xf32>
          %select_n3A_715 = arith.select %ge3A_706, %add3A_637, %broadcast_in_dim3A_714 : vector<16xi1>, vector<16xf32>
          %add3A_716 = arith.addf %add3A_550, %select_n3A_715 : vector<16xf32>
          %ge3A_717 = arith.constant 0.847297847 : f32
          %ge3A_718 = vector.broadcast %ge3A_717 : f32 to vector<16xf32>
          %ge3A_719 = arith.cmpf oge, %select_n3A_598, %ge3A_718 : vector<16xf32>
          %jit3A_720 = arith.constant 1.000000e+00 : f32
          %jit3A_721 = arith.constant 0.000000e+00 : f32
          %broadcast_in_dim3A_722 = vector.broadcast %jit3A_720 : f32 to vector<16xf32>
          %broadcast_in_dim3A_723 = vector.broadcast %jit3A_721 : f32 to vector<16xf32>
          %select_n3A_724 = arith.select %ge3A_719, %broadcast_in_dim3A_722, %broadcast_in_dim3A_723 : vector<16xi1>, vector<16xf32>
          %add3A_725 = arith.addf %add3A_559, %select_n3A_724 : vector<16xf32>
          %jit3A_726 = arith.constant 0.000000e+00 : f32
          %broadcast_in_dim3A_727 = vector.broadcast %jit3A_726 : f32 to vector<16xf32>
          %select_n3A_728 = arith.select %ge3A_719, %add3A_637, %broadcast_in_dim3A_727 : vector<16xi1>, vector<16xf32>
          %add3A_729 = arith.addf %add3A_563, %select_n3A_728 : vector<16xf32>
          %ge3A_730 = arith.constant 1.38629436 : f32
          %ge3A_731 = vector.broadcast %ge3A_730 : f32 to vector<16xf32>
          %ge3A_732 = arith.cmpf oge, %select_n3A_598, %ge3A_731 : vector<16xf32>
          %jit3A_733 = arith.constant 1.000000e+00 : f32
          %jit3A_734 = arith.constant 0.000000e+00 : f32
          %broadcast_in_dim3A_735 = vector.broadcast %jit3A_733 : f32 to vector<16xf32>
          %broadcast_in_dim3A_736 = vector.broadcast %jit3A_734 : f32 to vector<16xf32>
          %select_n3A_737 = arith.select %ge3A_732, %broadcast_in_dim3A_735, %broadcast_in_dim3A_736 : vector<16xi1>, vector<16xf32>
          %add3A_738 = arith.addf %add3A_572, %select_n3A_737 : vector<16xf32>
          %jit3A_739 = arith.constant 0.000000e+00 : f32
          %broadcast_in_dim3A_740 = vector.broadcast %jit3A_739 : f32 to vector<16xf32>
          %select_n3A_741 = arith.select %ge3A_732, %add3A_637, %broadcast_in_dim3A_740 : vector<16xi1>, vector<16xf32>
          %add3A_742 = arith.addf %add3A_576, %select_n3A_741 : vector<16xf32>
          %ge3A_743 = arith.constant 2.19722462 : f32
          %ge3A_744 = vector.broadcast %ge3A_743 : f32 to vector<16xf32>
          %ge3A_745 = arith.cmpf oge, %select_n3A_598, %ge3A_744 : vector<16xf32>
          %jit3A_746 = arith.constant 1.000000e+00 : f32
          %jit3A_747 = arith.constant 0.000000e+00 : f32
          %broadcast_in_dim3A_748 = vector.broadcast %jit3A_746 : f32 to vector<16xf32>
          %broadcast_in_dim3A_749 = vector.broadcast %jit3A_747 : f32 to vector<16xf32>
          %select_n3A_750 = arith.select %ge3A_745, %broadcast_in_dim3A_748, %broadcast_in_dim3A_749 : vector<16xi1>, vector<16xf32>
          %add3A_751 = arith.addf %add3A_585, %select_n3A_750 : vector<16xf32>
          %jit3A_752 = arith.constant 0.000000e+00 : f32
          %broadcast_in_dim3A_753 = vector.broadcast %jit3A_752 : f32 to vector<16xf32>
          %select_n3A_754 = arith.select %ge3A_745, %add3A_637, %broadcast_in_dim3A_753 : vector<16xi1>, vector<16xf32>
          %add3A_755 = arith.addf %add3A_589, %select_n3A_754 : vector<16xf32>
          %get3A_756 = arith.index_cast %add3A_264 : i32 to index
          %get3A_757 = arith.constant 48 : index
          %get3A_758 = tpu.vector_load %arg5[%get3A_756, %get3A_757] {strides = array<i32>} : memref<400x80xf32, #tpu.memory_space<vmem>>, vector<1x16xf32>,
          %get3A_759 = vector.shape_cast %get3A_758 : vector<1x16xf32> to vector<16xf32>
          %eq3A_760 = arith.cmpi eq, %add3A_16, %gather3A_261 : vector<16xi32>
          %neg3A_761 = arith.constant 0.000000e+00 : f32
          %neg3A_762 = vector.broadcast %neg3A_761 : f32 to vector<16xf32>
          %neg3A_763 = arith.subf %neg3A_762, %get3A_759 : vector<16xf32>
          %select_n3A_764 = arith.select %eq3A_760, %neg3A_763, %get3A_759 : vector<16xi1>, vector<16xf32>
          %abs3A_765 = math.absf %select_n3A_764 : vector<16xf32>
          %neg3A_766 = arith.constant 0.000000e+00 : f32
          %neg3A_767 = vector.broadcast %neg3A_766 : f32 to vector<16xf32>
          %neg3A_768 = arith.subf %neg3A_767, %abs3A_765 : vector<16xf32>
          %exp3A_769 = math.exp %neg3A_768 : vector<16xf32>
          %mul3A_770 = arith.constant 0.0101190833 : f32
          %mul3A_771 = vector.broadcast %mul3A_770 : f32 to vector<16xf32>
          %mul3A_772 = arith.mulf %mul3A_771, %exp3A_769 : vector<16xf32>
          %add3A_773 = arith.constant -0.0526248515 : f32
          %add3A_774 = vector.broadcast %add3A_773 : f32 to vector<16xf32>
          %add3A_775 = arith.addf %mul3A_772, %add3A_774 : vector<16xf32>
          %mul3A_776 = arith.mulf %add3A_775, %exp3A_769 : vector<16xf32>
          %add3A_777 = arith.constant 0.130765036 : f32
          %add3A_778 = vector.broadcast %add3A_777 : f32 to vector<16xf32>
          %add3A_779 = arith.addf %mul3A_776, %add3A_778 : vector<16xf32>
          %mul3A_780 = arith.mulf %add3A_779, %exp3A_769 : vector<16xf32>
          %add3A_781 = arith.constant -0.222836256 : f32
          %add3A_782 = vector.broadcast %add3A_781 : f32 to vector<16xf32>
          %add3A_783 = arith.addf %mul3A_780, %add3A_782 : vector<16xf32>
          %mul3A_784 = arith.mulf %add3A_783, %exp3A_769 : vector<16xf32>
          %add3A_785 = arith.constant 0.32697311 : f32
          %add3A_786 = vector.broadcast %add3A_785 : f32 to vector<16xf32>
          %add3A_787 = arith.addf %mul3A_784, %add3A_786 : vector<16xf32>
          %mul3A_788 = arith.mulf %add3A_787, %exp3A_769 : vector<16xf32>
          %add3A_789 = arith.constant -0.499206573 : f32
          %add3A_790 = vector.broadcast %add3A_789 : f32 to vector<16xf32>
          %add3A_791 = arith.addf %mul3A_788, %add3A_790 : vector<16xf32>
          %mul3A_792 = arith.mulf %add3A_791, %exp3A_769 : vector<16xf32>
          %add3A_793 = arith.constant 0.999957501 : f32
          %add3A_794 = vector.broadcast %add3A_793 : f32 to vector<16xf32>
          %add3A_795 = arith.addf %mul3A_792, %add3A_794 : vector<16xf32>
          %mul3A_796 = arith.mulf %add3A_795, %exp3A_769 : vector<16xf32>
          %add3A_797 = arith.constant 5.62195908E-7 : f32
          %add3A_798 = vector.broadcast %add3A_797 : f32 to vector<16xf32>
          %add3A_799 = arith.addf %mul3A_796, %add3A_798 : vector<16xf32>
          %max3A_800 = arith.constant 0.000000e+00 : f32
          %max3A_801 = vector.broadcast %max3A_800 : f32 to vector<16xf32>
          %max3A_802 = arith.maximumf %select_n3A_764, %max3A_801 : vector<16xf32>
          %add3A_803 = arith.addf %max3A_802, %add3A_799 : vector<16xf32>
          %add3A_804 = arith.addf %add3A_638, %add3A_803 : vector<16xf32>
          %ge3A_805 = arith.constant -2.19722462 : f32
          %ge3A_806 = vector.broadcast %ge3A_805 : f32 to vector<16xf32>
          %ge3A_807 = arith.cmpf oge, %select_n3A_764, %ge3A_806 : vector<16xf32>
          %jit3A_808 = arith.constant 1.000000e+00 : f32
          %jit3A_809 = arith.constant 0.000000e+00 : f32
          %broadcast_in_dim3A_810 = vector.broadcast %jit3A_808 : f32 to vector<16xf32>
          %broadcast_in_dim3A_811 = vector.broadcast %jit3A_809 : f32 to vector<16xf32>
          %select_n3A_812 = arith.select %ge3A_807, %broadcast_in_dim3A_810, %broadcast_in_dim3A_811 : vector<16xi1>, vector<16xf32>
          %add3A_813 = arith.addf %add3A_647, %select_n3A_812 : vector<16xf32>
          %jit3A_814 = arith.constant 0.000000e+00 : f32
          %broadcast_in_dim3A_815 = vector.broadcast %jit3A_814 : f32 to vector<16xf32>
          %select_n3A_816 = arith.select %ge3A_807, %add3A_803, %broadcast_in_dim3A_815 : vector<16xi1>, vector<16xf32>
          %add3A_817 = arith.addf %add3A_651, %select_n3A_816 : vector<16xf32>
          %ge3A_818 = arith.constant -1.38629436 : f32
          %ge3A_819 = vector.broadcast %ge3A_818 : f32 to vector<16xf32>
          %ge3A_820 = arith.cmpf oge, %select_n3A_764, %ge3A_819 : vector<16xf32>
          %jit3A_821 = arith.constant 1.000000e+00 : f32
          %jit3A_822 = arith.constant 0.000000e+00 : f32
          %broadcast_in_dim3A_823 = vector.broadcast %jit3A_821 : f32 to vector<16xf32>
          %broadcast_in_dim3A_824 = vector.broadcast %jit3A_822 : f32 to vector<16xf32>
          %select_n3A_825 = arith.select %ge3A_820, %broadcast_in_dim3A_823, %broadcast_in_dim3A_824 : vector<16xi1>, vector<16xf32>
          %add3A_826 = arith.addf %add3A_660, %select_n3A_825 : vector<16xf32>
          %jit3A_827 = arith.constant 0.000000e+00 : f32
          %broadcast_in_dim3A_828 = vector.broadcast %jit3A_827 : f32 to vector<16xf32>
          %select_n3A_829 = arith.select %ge3A_820, %add3A_803, %broadcast_in_dim3A_828 : vector<16xi1>, vector<16xf32>
          %add3A_830 = arith.addf %add3A_664, %select_n3A_829 : vector<16xf32>
          %ge3A_831 = arith.constant -0.847297847 : f32
          %ge3A_832 = vector.broadcast %ge3A_831 : f32 to vector<16xf32>
          %ge3A_833 = arith.cmpf oge, %select_n3A_764, %ge3A_832 : vector<16xf32>
          %jit3A_834 = arith.constant 1.000000e+00 : f32
          %jit3A_835 = arith.constant 0.000000e+00 : f32
          %broadcast_in_dim3A_836 = vector.broadcast %jit3A_834 : f32 to vector<16xf32>
          %broadcast_in_dim3A_837 = vector.broadcast %jit3A_835 : f32 to vector<16xf32>
          %select_n3A_838 = arith.select %ge3A_833, %broadcast_in_dim3A_836, %broadcast_in_dim3A_837 : vector<16xi1>, vector<16xf32>
          %add3A_839 = arith.addf %add3A_673, %select_n3A_838 : vector<16xf32>
          %jit3A_840 = arith.constant 0.000000e+00 : f32
          %broadcast_in_dim3A_841 = vector.broadcast %jit3A_840 : f32 to vector<16xf32>
          %select_n3A_842 = arith.select %ge3A_833, %add3A_803, %broadcast_in_dim3A_841 : vector<16xi1>, vector<16xf32>
          %add3A_843 = arith.addf %add3A_677, %select_n3A_842 : vector<16xf32>
          %ge3A_844 = arith.constant -0.405465096 : f32
          %ge3A_845 = vector.broadcast %ge3A_844 : f32 to vector<16xf32>
          %ge3A_846 = arith.cmpf oge, %select_n3A_764, %ge3A_845 : vector<16xf32>
          %jit3A_847 = arith.constant 1.000000e+00 : f32
          %jit3A_848 = arith.constant 0.000000e+00 : f32
          %broadcast_in_dim3A_849 = vector.broadcast %jit3A_847 : f32 to vector<16xf32>
          %broadcast_in_dim3A_850 = vector.broadcast %jit3A_848 : f32 to vector<16xf32>
          %select_n3A_851 = arith.select %ge3A_846, %broadcast_in_dim3A_849, %broadcast_in_dim3A_850 : vector<16xi1>, vector<16xf32>
          %add3A_852 = arith.addf %add3A_686, %select_n3A_851 : vector<16xf32>
          %jit3A_853 = arith.constant 0.000000e+00 : f32
          %broadcast_in_dim3A_854 = vector.broadcast %jit3A_853 : f32 to vector<16xf32>
          %select_n3A_855 = arith.select %ge3A_846, %add3A_803, %broadcast_in_dim3A_854 : vector<16xi1>, vector<16xf32>
          %add3A_856 = arith.addf %add3A_690, %select_n3A_855 : vector<16xf32>
          %ge3A_857 = arith.constant 0.000000e+00 : f32
          %ge3A_858 = vector.broadcast %ge3A_857 : f32 to vector<16xf32>
          %ge3A_859 = arith.cmpf oge, %select_n3A_764, %ge3A_858 : vector<16xf32>
          %jit3A_860 = arith.constant 1.000000e+00 : f32
          %jit3A_861 = arith.constant 0.000000e+00 : f32
          %broadcast_in_dim3A_862 = vector.broadcast %jit3A_860 : f32 to vector<16xf32>
          %broadcast_in_dim3A_863 = vector.broadcast %jit3A_861 : f32 to vector<16xf32>
          %select_n3A_864 = arith.select %ge3A_859, %broadcast_in_dim3A_862, %broadcast_in_dim3A_863 : vector<16xi1>, vector<16xf32>
          %add3A_865 = arith.addf %add3A_699, %select_n3A_864 : vector<16xf32>
          %jit3A_866 = arith.constant 0.000000e+00 : f32
          %broadcast_in_dim3A_867 = vector.broadcast %jit3A_866 : f32 to vector<16xf32>
          %select_n3A_868 = arith.select %ge3A_859, %add3A_803, %broadcast_in_dim3A_867 : vector<16xi1>, vector<16xf32>
          %add3A_869 = arith.addf %add3A_703, %select_n3A_868 : vector<16xf32>
          %ge3A_870 = arith.constant 0.405465096 : f32
          %ge3A_871 = vector.broadcast %ge3A_870 : f32 to vector<16xf32>
          %ge3A_872 = arith.cmpf oge, %select_n3A_764, %ge3A_871 : vector<16xf32>
          %jit3A_873 = arith.constant 1.000000e+00 : f32
          %jit3A_874 = arith.constant 0.000000e+00 : f32
          %broadcast_in_dim3A_875 = vector.broadcast %jit3A_873 : f32 to vector<16xf32>
          %broadcast_in_dim3A_876 = vector.broadcast %jit3A_874 : f32 to vector<16xf32>
          %select_n3A_877 = arith.select %ge3A_872, %broadcast_in_dim3A_875, %broadcast_in_dim3A_876 : vector<16xi1>, vector<16xf32>
          %add3A_878 = arith.addf %add3A_712, %select_n3A_877 : vector<16xf32>
          %jit3A_879 = arith.constant 0.000000e+00 : f32
          %broadcast_in_dim3A_880 = vector.broadcast %jit3A_879 : f32 to vector<16xf32>
          %select_n3A_881 = arith.select %ge3A_872, %add3A_803, %broadcast_in_dim3A_880 : vector<16xi1>, vector<16xf32>
          %add3A_882 = arith.addf %add3A_716, %select_n3A_881 : vector<16xf32>
          %ge3A_883 = arith.constant 0.847297847 : f32
          %ge3A_884 = vector.broadcast %ge3A_883 : f32 to vector<16xf32>
          %ge3A_885 = arith.cmpf oge, %select_n3A_764, %ge3A_884 : vector<16xf32>
          %jit3A_886 = arith.constant 1.000000e+00 : f32
          %jit3A_887 = arith.constant 0.000000e+00 : f32
          %broadcast_in_dim3A_888 = vector.broadcast %jit3A_886 : f32 to vector<16xf32>
          %broadcast_in_dim3A_889 = vector.broadcast %jit3A_887 : f32 to vector<16xf32>
          %select_n3A_890 = arith.select %ge3A_885, %broadcast_in_dim3A_888, %broadcast_in_dim3A_889 : vector<16xi1>, vector<16xf32>
          %add3A_891 = arith.addf %add3A_725, %select_n3A_890 : vector<16xf32>
          %jit3A_892 = arith.constant 0.000000e+00 : f32
          %broadcast_in_dim3A_893 = vector.broadcast %jit3A_892 : f32 to vector<16xf32>
          %select_n3A_894 = arith.select %ge3A_885, %add3A_803, %broadcast_in_dim3A_893 : vector<16xi1>, vector<16xf32>
          %add3A_895 = arith.addf %add3A_729, %select_n3A_894 : vector<16xf32>
          %ge3A_896 = arith.constant 1.38629436 : f32
          %ge3A_897 = vector.broadcast %ge3A_896 : f32 to vector<16xf32>
          %ge3A_898 = arith.cmpf oge, %select_n3A_764, %ge3A_897 : vector<16xf32>
          %jit3A_899 = arith.constant 1.000000e+00 : f32
          %jit3A_900 = arith.constant 0.000000e+00 : f32
          %broadcast_in_dim3A_901 = vector.broadcast %jit3A_899 : f32 to vector<16xf32>
          %broadcast_in_dim3A_902 = vector.broadcast %jit3A_900 : f32 to vector<16xf32>
          %select_n3A_903 = arith.select %ge3A_898, %broadcast_in_dim3A_901, %broadcast_in_dim3A_902 : vector<16xi1>, vector<16xf32>
          %add3A_904 = arith.addf %add3A_738, %select_n3A_903 : vector<16xf32>
          %jit3A_905 = arith.constant 0.000000e+00 : f32
          %broadcast_in_dim3A_906 = vector.broadcast %jit3A_905 : f32 to vector<16xf32>
          %select_n3A_907 = arith.select %ge3A_898, %add3A_803, %broadcast_in_dim3A_906 : vector<16xi1>, vector<16xf32>
          %add3A_908 = arith.addf %add3A_742, %select_n3A_907 : vector<16xf32>
          %ge3A_909 = arith.constant 2.19722462 : f32
          %ge3A_910 = vector.broadcast %ge3A_909 : f32 to vector<16xf32>
          %ge3A_911 = arith.cmpf oge, %select_n3A_764, %ge3A_910 : vector<16xf32>
          %jit3A_912 = arith.constant 1.000000e+00 : f32
          %jit3A_913 = arith.constant 0.000000e+00 : f32
          %broadcast_in_dim3A_914 = vector.broadcast %jit3A_912 : f32 to vector<16xf32>
          %broadcast_in_dim3A_915 = vector.broadcast %jit3A_913 : f32 to vector<16xf32>
          %select_n3A_916 = arith.select %ge3A_911, %broadcast_in_dim3A_914, %broadcast_in_dim3A_915 : vector<16xi1>, vector<16xf32>
          %add3A_917 = arith.addf %add3A_751, %select_n3A_916 : vector<16xf32>
          %jit3A_918 = arith.constant 0.000000e+00 : f32
          %broadcast_in_dim3A_919 = vector.broadcast %jit3A_918 : f32 to vector<16xf32>
          %select_n3A_920 = arith.select %ge3A_911, %add3A_803, %broadcast_in_dim3A_919 : vector<16xi1>, vector<16xf32>
          %add3A_921 = arith.addf %add3A_755, %select_n3A_920 : vector<16xf32>
          %get3A_922 = arith.index_cast %add3A_264 : i32 to index
          %get3A_923 = arith.constant 64 : index
          %get3A_924 = tpu.vector_load %arg5[%get3A_922, %get3A_923] {strides = array<i32>} : memref<400x80xf32, #tpu.memory_space<vmem>>, vector<1x16xf32>,
          %get3A_925 = vector.shape_cast %get3A_924 : vector<1x16xf32> to vector<16xf32>
          %eq3A_926 = arith.cmpi eq, %add3A_19, %gather3A_261 : vector<16xi32>
          %neg3A_927 = arith.constant 0.000000e+00 : f32
          %neg3A_928 = vector.broadcast %neg3A_927 : f32 to vector<16xf32>
          %neg3A_929 = arith.subf %neg3A_928, %get3A_925 : vector<16xf32>
          %select_n3A_930 = arith.select %eq3A_926, %neg3A_929, %get3A_925 : vector<16xi1>, vector<16xf32>
          %abs3A_931 = math.absf %select_n3A_930 : vector<16xf32>
          %neg3A_932 = arith.constant 0.000000e+00 : f32
          %neg3A_933 = vector.broadcast %neg3A_932 : f32 to vector<16xf32>
          %neg3A_934 = arith.subf %neg3A_933, %abs3A_931 : vector<16xf32>
          %exp3A_935 = math.exp %neg3A_934 : vector<16xf32>
          %mul3A_936 = arith.constant 0.0101190833 : f32
          %mul3A_937 = vector.broadcast %mul3A_936 : f32 to vector<16xf32>
          %mul3A_938 = arith.mulf %mul3A_937, %exp3A_935 : vector<16xf32>
          %add3A_939 = arith.constant -0.0526248515 : f32
          %add3A_940 = vector.broadcast %add3A_939 : f32 to vector<16xf32>
          %add3A_941 = arith.addf %mul3A_938, %add3A_940 : vector<16xf32>
          %mul3A_942 = arith.mulf %add3A_941, %exp3A_935 : vector<16xf32>
          %add3A_943 = arith.constant 0.130765036 : f32
          %add3A_944 = vector.broadcast %add3A_943 : f32 to vector<16xf32>
          %add3A_945 = arith.addf %mul3A_942, %add3A_944 : vector<16xf32>
          %mul3A_946 = arith.mulf %add3A_945, %exp3A_935 : vector<16xf32>
          %add3A_947 = arith.constant -0.222836256 : f32
          %add3A_948 = vector.broadcast %add3A_947 : f32 to vector<16xf32>
          %add3A_949 = arith.addf %mul3A_946, %add3A_948 : vector<16xf32>
          %mul3A_950 = arith.mulf %add3A_949, %exp3A_935 : vector<16xf32>
          %add3A_951 = arith.constant 0.32697311 : f32
          %add3A_952 = vector.broadcast %add3A_951 : f32 to vector<16xf32>
          %add3A_953 = arith.addf %mul3A_950, %add3A_952 : vector<16xf32>
          %mul3A_954 = arith.mulf %add3A_953, %exp3A_935 : vector<16xf32>
          %add3A_955 = arith.constant -0.499206573 : f32
          %add3A_956 = vector.broadcast %add3A_955 : f32 to vector<16xf32>
          %add3A_957 = arith.addf %mul3A_954, %add3A_956 : vector<16xf32>
          %mul3A_958 = arith.mulf %add3A_957, %exp3A_935 : vector<16xf32>
          %add3A_959 = arith.constant 0.999957501 : f32
          %add3A_960 = vector.broadcast %add3A_959 : f32 to vector<16xf32>
          %add3A_961 = arith.addf %mul3A_958, %add3A_960 : vector<16xf32>
          %mul3A_962 = arith.mulf %add3A_961, %exp3A_935 : vector<16xf32>
          %add3A_963 = arith.constant 5.62195908E-7 : f32
          %add3A_964 = vector.broadcast %add3A_963 : f32 to vector<16xf32>
          %add3A_965 = arith.addf %mul3A_962, %add3A_964 : vector<16xf32>
          %max3A_966 = arith.constant 0.000000e+00 : f32
          %max3A_967 = vector.broadcast %max3A_966 : f32 to vector<16xf32>
          %max3A_968 = arith.maximumf %select_n3A_930, %max3A_967 : vector<16xf32>
          %add3A_969 = arith.addf %max3A_968, %add3A_965 : vector<16xf32>
          %add3A_970 = arith.addf %add3A_804, %add3A_969 : vector<16xf32>
          %ge3A_971 = arith.constant -2.19722462 : f32
          %ge3A_972 = vector.broadcast %ge3A_971 : f32 to vector<16xf32>
          %ge3A_973 = arith.cmpf oge, %select_n3A_930, %ge3A_972 : vector<16xf32>
          %jit3A_974 = arith.constant 1.000000e+00 : f32
          %jit3A_975 = arith.constant 0.000000e+00 : f32
          %broadcast_in_dim3A_976 = vector.broadcast %jit3A_974 : f32 to vector<16xf32>
          %broadcast_in_dim3A_977 = vector.broadcast %jit3A_975 : f32 to vector<16xf32>
          %select_n3A_978 = arith.select %ge3A_973, %broadcast_in_dim3A_976, %broadcast_in_dim3A_977 : vector<16xi1>, vector<16xf32>
          %add3A_979 = arith.addf %add3A_813, %select_n3A_978 : vector<16xf32>
          %jit3A_980 = arith.constant 0.000000e+00 : f32
          %broadcast_in_dim3A_981 = vector.broadcast %jit3A_980 : f32 to vector<16xf32>
          %select_n3A_982 = arith.select %ge3A_973, %add3A_969, %broadcast_in_dim3A_981 : vector<16xi1>, vector<16xf32>
          %add3A_983 = arith.addf %add3A_817, %select_n3A_982 : vector<16xf32>
          %ge3A_984 = arith.constant -1.38629436 : f32
          %ge3A_985 = vector.broadcast %ge3A_984 : f32 to vector<16xf32>
          %ge3A_986 = arith.cmpf oge, %select_n3A_930, %ge3A_985 : vector<16xf32>
          %jit3A_987 = arith.constant 1.000000e+00 : f32
          %jit3A_988 = arith.constant 0.000000e+00 : f32
          %broadcast_in_dim3A_989 = vector.broadcast %jit3A_987 : f32 to vector<16xf32>
          %broadcast_in_dim3A_990 = vector.broadcast %jit3A_988 : f32 to vector<16xf32>
          %select_n3A_991 = arith.select %ge3A_986, %broadcast_in_dim3A_989, %broadcast_in_dim3A_990 : vector<16xi1>, vector<16xf32>
          %add3A_992 = arith.addf %add3A_826, %select_n3A_991 : vector<16xf32>
          %jit3A_993 = arith.constant 0.000000e+00 : f32
          %broadcast_in_dim3A_994 = vector.broadcast %jit3A_993 : f32 to vector<16xf32>
          %select_n3A_995 = arith.select %ge3A_986, %add3A_969, %broadcast_in_dim3A_994 : vector<16xi1>, vector<16xf32>
          %add3A_996 = arith.addf %add3A_830, %select_n3A_995 : vector<16xf32>
          %ge3A_997 = arith.constant -0.847297847 : f32
          %ge3A_998 = vector.broadcast %ge3A_997 : f32 to vector<16xf32>
          %ge3A_999 = arith.cmpf oge, %select_n3A_930, %ge3A_998 : vector<16xf32>
          %jit3A_1000 = arith.constant 1.000000e+00 : f32
          %jit3A_1001 = arith.constant 0.000000e+00 : f32
          %broadcast_in_dim3A_1002 = vector.broadcast %jit3A_1000 : f32 to vector<16xf32>
          %broadcast_in_dim3A_1003 = vector.broadcast %jit3A_1001 : f32 to vector<16xf32>
          %select_n3A_1004 = arith.select %ge3A_999, %broadcast_in_dim3A_1002, %broadcast_in_dim3A_1003 : vector<16xi1>, vector<16xf32>
          %add3A_1005 = arith.addf %add3A_839, %select_n3A_1004 : vector<16xf32>
          %jit3A_1006 = arith.constant 0.000000e+00 : f32
          %broadcast_in_dim3A_1007 = vector.broadcast %jit3A_1006 : f32 to vector<16xf32>
          %select_n3A_1008 = arith.select %ge3A_999, %add3A_969, %broadcast_in_dim3A_1007 : vector<16xi1>, vector<16xf32>
          %add3A_1009 = arith.addf %add3A_843, %select_n3A_1008 : vector<16xf32>
          %ge3A_1010 = arith.constant -0.405465096 : f32
          %ge3A_1011 = vector.broadcast %ge3A_1010 : f32 to vector<16xf32>
          %ge3A_1012 = arith.cmpf oge, %select_n3A_930, %ge3A_1011 : vector<16xf32>
          %jit3A_1013 = arith.constant 1.000000e+00 : f32
          %jit3A_1014 = arith.constant 0.000000e+00 : f32
          %broadcast_in_dim3A_1015 = vector.broadcast %jit3A_1013 : f32 to vector<16xf32>
          %broadcast_in_dim3A_1016 = vector.broadcast %jit3A_1014 : f32 to vector<16xf32>
          %select_n3A_1017 = arith.select %ge3A_1012, %broadcast_in_dim3A_1015, %broadcast_in_dim3A_1016 : vector<16xi1>, vector<16xf32>
          %add3A_1018 = arith.addf %add3A_852, %select_n3A_1017 : vector<16xf32>
          %jit3A_1019 = arith.constant 0.000000e+00 : f32
          %broadcast_in_dim3A_1020 = vector.broadcast %jit3A_1019 : f32 to vector<16xf32>
          %select_n3A_1021 = arith.select %ge3A_1012, %add3A_969, %broadcast_in_dim3A_1020 : vector<16xi1>, vector<16xf32>
          %add3A_1022 = arith.addf %add3A_856, %select_n3A_1021 : vector<16xf32>
          %ge3A_1023 = arith.constant 0.000000e+00 : f32
          %ge3A_1024 = vector.broadcast %ge3A_1023 : f32 to vector<16xf32>
          %ge3A_1025 = arith.cmpf oge, %select_n3A_930, %ge3A_1024 : vector<16xf32>
          %jit3A_1026 = arith.constant 1.000000e+00 : f32
          %jit3A_1027 = arith.constant 0.000000e+00 : f32
          %broadcast_in_dim3A_1028 = vector.broadcast %jit3A_1026 : f32 to vector<16xf32>
          %broadcast_in_dim3A_1029 = vector.broadcast %jit3A_1027 : f32 to vector<16xf32>
          %select_n3A_1030 = arith.select %ge3A_1025, %broadcast_in_dim3A_1028, %broadcast_in_dim3A_1029 : vector<16xi1>, vector<16xf32>
          %add3A_1031 = arith.addf %add3A_865, %select_n3A_1030 : vector<16xf32>
          %jit3A_1032 = arith.constant 0.000000e+00 : f32
          %broadcast_in_dim3A_1033 = vector.broadcast %jit3A_1032 : f32 to vector<16xf32>
          %select_n3A_1034 = arith.select %ge3A_1025, %add3A_969, %broadcast_in_dim3A_1033 : vector<16xi1>, vector<16xf32>
          %add3A_1035 = arith.addf %add3A_869, %select_n3A_1034 : vector<16xf32>
          %ge3A_1036 = arith.constant 0.405465096 : f32
          %ge3A_1037 = vector.broadcast %ge3A_1036 : f32 to vector<16xf32>
          %ge3A_1038 = arith.cmpf oge, %select_n3A_930, %ge3A_1037 : vector<16xf32>
          %jit3A_1039 = arith.constant 1.000000e+00 : f32
          %jit3A_1040 = arith.constant 0.000000e+00 : f32
          %broadcast_in_dim3A_1041 = vector.broadcast %jit3A_1039 : f32 to vector<16xf32>
          %broadcast_in_dim3A_1042 = vector.broadcast %jit3A_1040 : f32 to vector<16xf32>
          %select_n3A_1043 = arith.select %ge3A_1038, %broadcast_in_dim3A_1041, %broadcast_in_dim3A_1042 : vector<16xi1>, vector<16xf32>
          %add3A_1044 = arith.addf %add3A_878, %select_n3A_1043 : vector<16xf32>
          %jit3A_1045 = arith.constant 0.000000e+00 : f32
          %broadcast_in_dim3A_1046 = vector.broadcast %jit3A_1045 : f32 to vector<16xf32>
          %select_n3A_1047 = arith.select %ge3A_1038, %add3A_969, %broadcast_in_dim3A_1046 : vector<16xi1>, vector<16xf32>
          %add3A_1048 = arith.addf %add3A_882, %select_n3A_1047 : vector<16xf32>
          %ge3A_1049 = arith.constant 0.847297847 : f32
          %ge3A_1050 = vector.broadcast %ge3A_1049 : f32 to vector<16xf32>
          %ge3A_1051 = arith.cmpf oge, %select_n3A_930, %ge3A_1050 : vector<16xf32>
          %jit3A_1052 = arith.constant 1.000000e+00 : f32
          %jit3A_1053 = arith.constant 0.000000e+00 : f32
          %broadcast_in_dim3A_1054 = vector.broadcast %jit3A_1052 : f32 to vector<16xf32>
          %broadcast_in_dim3A_1055 = vector.broadcast %jit3A_1053 : f32 to vector<16xf32>
          %select_n3A_1056 = arith.select %ge3A_1051, %broadcast_in_dim3A_1054, %broadcast_in_dim3A_1055 : vector<16xi1>, vector<16xf32>
          %add3A_1057 = arith.addf %add3A_891, %select_n3A_1056 : vector<16xf32>
          %jit3A_1058 = arith.constant 0.000000e+00 : f32
          %broadcast_in_dim3A_1059 = vector.broadcast %jit3A_1058 : f32 to vector<16xf32>
          %select_n3A_1060 = arith.select %ge3A_1051, %add3A_969, %broadcast_in_dim3A_1059 : vector<16xi1>, vector<16xf32>
          %add3A_1061 = arith.addf %add3A_895, %select_n3A_1060 : vector<16xf32>
          %ge3A_1062 = arith.constant 1.38629436 : f32
          %ge3A_1063 = vector.broadcast %ge3A_1062 : f32 to vector<16xf32>
          %ge3A_1064 = arith.cmpf oge, %select_n3A_930, %ge3A_1063 : vector<16xf32>
          %jit3A_1065 = arith.constant 1.000000e+00 : f32
          %jit3A_1066 = arith.constant 0.000000e+00 : f32
          %broadcast_in_dim3A_1067 = vector.broadcast %jit3A_1065 : f32 to vector<16xf32>
          %broadcast_in_dim3A_1068 = vector.broadcast %jit3A_1066 : f32 to vector<16xf32>
          %select_n3A_1069 = arith.select %ge3A_1064, %broadcast_in_dim3A_1067, %broadcast_in_dim3A_1068 : vector<16xi1>, vector<16xf32>
          %add3A_1070 = arith.addf %add3A_904, %select_n3A_1069 : vector<16xf32>
          %jit3A_1071 = arith.constant 0.000000e+00 : f32
          %broadcast_in_dim3A_1072 = vector.broadcast %jit3A_1071 : f32 to vector<16xf32>
          %select_n3A_1073 = arith.select %ge3A_1064, %add3A_969, %broadcast_in_dim3A_1072 : vector<16xi1>, vector<16xf32>
          %add3A_1074 = arith.addf %add3A_908, %select_n3A_1073 : vector<16xf32>
          %ge3A_1075 = arith.constant 2.19722462 : f32
          %ge3A_1076 = vector.broadcast %ge3A_1075 : f32 to vector<16xf32>
          %ge3A_1077 = arith.cmpf oge, %select_n3A_930, %ge3A_1076 : vector<16xf32>
          %jit3A_1078 = arith.constant 1.000000e+00 : f32
          %jit3A_1079 = arith.constant 0.000000e+00 : f32
          %broadcast_in_dim3A_1080 = vector.broadcast %jit3A_1078 : f32 to vector<16xf32>
          %broadcast_in_dim3A_1081 = vector.broadcast %jit3A_1079 : f32 to vector<16xf32>
          %select_n3A_1082 = arith.select %ge3A_1077, %broadcast_in_dim3A_1080, %broadcast_in_dim3A_1081 : vector<16xi1>, vector<16xf32>
          %add3A_1083 = arith.addf %add3A_917, %select_n3A_1082 : vector<16xf32>
          %jit3A_1084 = arith.constant 0.000000e+00 : f32
          %broadcast_in_dim3A_1085 = vector.broadcast %jit3A_1084 : f32 to vector<16xf32>
          %select_n3A_1086 = arith.select %ge3A_1077, %add3A_969, %broadcast_in_dim3A_1085 : vector<16xi1>, vector<16xf32>
          %add3A_1087 = arith.addf %add3A_921, %select_n3A_1086 : vector<16xf32>
          scf.yield %add3A_970, %add3A_979, %add3A_983, %add3A_992, %add3A_996, %add3A_1005, %add3A_1009, %add3A_1018, %add3A_1022, %add3A_1031, %add3A_1035, %add3A_1044, %add3A_1048, %add3A_1057, %add3A_1061, %add3A_1070, %add3A_1074, %add3A_1083, %add3A_1087 : vector<16xf32>, vector<16xf32>, vector<16xf32>, vector<16xf32>, vector<16xf32>, vector<16xf32>, vector<16xf32>, vector<16xf32>, vector<16xf32>, vector<16xf32>, vector<16xf32>, vector<16xf32>, vector<16xf32>, vector<16xf32>, vector<16xf32>, vector<16xf32>, vector<16xf32>, vector<16xf32>, vector<16xf32>
        }
        %scan3A_233 = arith.constant 16 : i32
        scf.yield %scan3A_232#0, %scan3A_232#1, %scan3A_232#2, %scan3A_232#3, %scan3A_232#4, %scan3A_232#5, %scan3A_232#6, %scan3A_232#7, %scan3A_232#8, %scan3A_232#9, %scan3A_232#10, %scan3A_232#11, %scan3A_232#12, %scan3A_232#13, %scan3A_232#14, %scan3A_232#15, %scan3A_232#16, %scan3A_232#17, %scan3A_232#18 : vector<16xf32>, vector<16xf32>, vector<16xf32>, vector<16xf32>, vector<16xf32>, vector<16xf32>, vector<16xf32>, vector<16xf32>, vector<16xf32>, vector<16xf32>, vector<16xf32>, vector<16xf32>, vector<16xf32>, vector<16xf32>, vector<16xf32>, vector<16xf32>, vector<16xf32>, vector<16xf32>, vector<16xf32>
      }
      %scan3A_203 = arith.constant 25 : i32
      scf.yield %scan3A_202#0, %scan3A_202#1, %scan3A_202#2, %scan3A_202#3, %scan3A_202#4, %scan3A_202#5, %scan3A_202#6, %scan3A_202#7, %scan3A_202#8, %scan3A_202#9, %scan3A_202#10, %scan3A_202#11, %scan3A_202#12, %scan3A_202#13, %scan3A_202#14, %scan3A_202#15, %scan3A_202#16, %scan3A_202#17, %scan3A_202#18 : vector<16xf32>, vector<16xf32>, vector<16xf32>, vector<16xf32>, vector<16xf32>, vector<16xf32>, vector<16xf32>, vector<16xf32>, vector<16xf32>, vector<16xf32>, vector<16xf32>, vector<16xf32>, vector<16xf32>, vector<16xf32>, vector<16xf32>, vector<16xf32>, vector<16xf32>, vector<16xf32>, vector<16xf32>
    }
    %scan3A_61 = arith.constant 4 : i32
    %swap3A = arith.constant 0 : i32
    %swap3A_62 = arith.index_cast %swap3A : i32 to index
    %swap3A_63 = arith.constant 0 : index
    %swap3A_64 = tpu.vector_load %arg7[%swap3A_62, %swap3A_63] {strides = array<i32>} : memref<19x16xf32, #tpu.memory_space<vmem>>, vector<1x16xf32>,
    %swap3A_65 = vector.shape_cast %swap3A_64 : vector<1x16xf32> to vector<16xf32>
    %swap3A_66 = vector.shape_cast %scan3A_60#0 : vector<16xf32> to vector<1x16xf32>
    tpu.vector_store %arg7[%swap3A_62, %swap3A_63], %swap3A_66 {strides = array<i32>} : memref<19x16xf32, #tpu.memory_space<vmem>>, vector<1x16xf32>,
    %swap3A_67 = arith.constant 1 : i32
    %swap3A_68 = arith.index_cast %swap3A_67 : i32 to index
    %swap3A_69 = arith.constant 0 : index
    %swap3A_70 = tpu.vector_load %arg7[%swap3A_68, %swap3A_69] {strides = array<i32>} : memref<19x16xf32, #tpu.memory_space<vmem>>, vector<1x16xf32>,
    %swap3A_71 = vector.shape_cast %swap3A_70 : vector<1x16xf32> to vector<16xf32>
    %swap3A_72 = vector.shape_cast %scan3A_60#1 : vector<16xf32> to vector<1x16xf32>
    tpu.vector_store %arg7[%swap3A_68, %swap3A_69], %swap3A_72 {strides = array<i32>} : memref<19x16xf32, #tpu.memory_space<vmem>>, vector<1x16xf32>,
    %swap3A_73 = arith.constant 2 : i32
    %swap3A_74 = arith.index_cast %swap3A_73 : i32 to index
    %swap3A_75 = arith.constant 0 : index
    %swap3A_76 = tpu.vector_load %arg7[%swap3A_74, %swap3A_75] {strides = array<i32>} : memref<19x16xf32, #tpu.memory_space<vmem>>, vector<1x16xf32>,
    %swap3A_77 = vector.shape_cast %swap3A_76 : vector<1x16xf32> to vector<16xf32>
    %swap3A_78 = vector.shape_cast %scan3A_60#2 : vector<16xf32> to vector<1x16xf32>
    tpu.vector_store %arg7[%swap3A_74, %swap3A_75], %swap3A_78 {strides = array<i32>} : memref<19x16xf32, #tpu.memory_space<vmem>>, vector<1x16xf32>,
    %swap3A_79 = arith.constant 3 : i32
    %swap3A_80 = arith.index_cast %swap3A_79 : i32 to index
    %swap3A_81 = arith.constant 0 : index
    %swap3A_82 = tpu.vector_load %arg7[%swap3A_80, %swap3A_81] {strides = array<i32>} : memref<19x16xf32, #tpu.memory_space<vmem>>, vector<1x16xf32>,
    %swap3A_83 = vector.shape_cast %swap3A_82 : vector<1x16xf32> to vector<16xf32>
    %swap3A_84 = vector.shape_cast %scan3A_60#3 : vector<16xf32> to vector<1x16xf32>
    tpu.vector_store %arg7[%swap3A_80, %swap3A_81], %swap3A_84 {strides = array<i32>} : memref<19x16xf32, #tpu.memory_space<vmem>>, vector<1x16xf32>,
    %swap3A_85 = arith.constant 4 : i32
    %swap3A_86 = arith.index_cast %swap3A_85 : i32 to index
    %swap3A_87 = arith.constant 0 : index
    %swap3A_88 = tpu.vector_load %arg7[%swap3A_86, %swap3A_87] {strides = array<i32>} : memref<19x16xf32, #tpu.memory_space<vmem>>, vector<1x16xf32>,
    %swap3A_89 = vector.shape_cast %swap3A_88 : vector<1x16xf32> to vector<16xf32>
    %swap3A_90 = vector.shape_cast %scan3A_60#4 : vector<16xf32> to vector<1x16xf32>
    tpu.vector_store %arg7[%swap3A_86, %swap3A_87], %swap3A_90 {strides = array<i32>} : memref<19x16xf32, #tpu.memory_space<vmem>>, vector<1x16xf32>,
    %swap3A_91 = arith.constant 5 : i32
    %swap3A_92 = arith.index_cast %swap3A_91 : i32 to index
    %swap3A_93 = arith.constant 0 : index
    %swap3A_94 = tpu.vector_load %arg7[%swap3A_92, %swap3A_93] {strides = array<i32>} : memref<19x16xf32, #tpu.memory_space<vmem>>, vector<1x16xf32>,
    %swap3A_95 = vector.shape_cast %swap3A_94 : vector<1x16xf32> to vector<16xf32>
    %swap3A_96 = vector.shape_cast %scan3A_60#5 : vector<16xf32> to vector<1x16xf32>
    tpu.vector_store %arg7[%swap3A_92, %swap3A_93], %swap3A_96 {strides = array<i32>} : memref<19x16xf32, #tpu.memory_space<vmem>>, vector<1x16xf32>,
    %swap3A_97 = arith.constant 6 : i32
    %swap3A_98 = arith.index_cast %swap3A_97 : i32 to index
    %swap3A_99 = arith.constant 0 : index
    %swap3A_100 = tpu.vector_load %arg7[%swap3A_98, %swap3A_99] {strides = array<i32>} : memref<19x16xf32, #tpu.memory_space<vmem>>, vector<1x16xf32>,
    %swap3A_101 = vector.shape_cast %swap3A_100 : vector<1x16xf32> to vector<16xf32>
    %swap3A_102 = vector.shape_cast %scan3A_60#6 : vector<16xf32> to vector<1x16xf32>
    tpu.vector_store %arg7[%swap3A_98, %swap3A_99], %swap3A_102 {strides = array<i32>} : memref<19x16xf32, #tpu.memory_space<vmem>>, vector<1x16xf32>,
    %swap3A_103 = arith.constant 7 : i32
    %swap3A_104 = arith.index_cast %swap3A_103 : i32 to index
    %swap3A_105 = arith.constant 0 : index
    %swap3A_106 = tpu.vector_load %arg7[%swap3A_104, %swap3A_105] {strides = array<i32>} : memref<19x16xf32, #tpu.memory_space<vmem>>, vector<1x16xf32>,
    %swap3A_107 = vector.shape_cast %swap3A_106 : vector<1x16xf32> to vector<16xf32>
    %swap3A_108 = vector.shape_cast %scan3A_60#7 : vector<16xf32> to vector<1x16xf32>
    tpu.vector_store %arg7[%swap3A_104, %swap3A_105], %swap3A_108 {strides = array<i32>} : memref<19x16xf32, #tpu.memory_space<vmem>>, vector<1x16xf32>,
    %swap3A_109 = arith.constant 8 : i32
    %swap3A_110 = arith.index_cast %swap3A_109 : i32 to index
    %swap3A_111 = arith.constant 0 : index
    %swap3A_112 = tpu.vector_load %arg7[%swap3A_110, %swap3A_111] {strides = array<i32>} : memref<19x16xf32, #tpu.memory_space<vmem>>, vector<1x16xf32>,
    %swap3A_113 = vector.shape_cast %swap3A_112 : vector<1x16xf32> to vector<16xf32>
    %swap3A_114 = vector.shape_cast %scan3A_60#8 : vector<16xf32> to vector<1x16xf32>
    tpu.vector_store %arg7[%swap3A_110, %swap3A_111], %swap3A_114 {strides = array<i32>} : memref<19x16xf32, #tpu.memory_space<vmem>>, vector<1x16xf32>,
    %swap3A_115 = arith.constant 9 : i32
    %swap3A_116 = arith.index_cast %swap3A_115 : i32 to index
    %swap3A_117 = arith.constant 0 : index
    %swap3A_118 = tpu.vector_load %arg7[%swap3A_116, %swap3A_117] {strides = array<i32>} : memref<19x16xf32, #tpu.memory_space<vmem>>, vector<1x16xf32>,
    %swap3A_119 = vector.shape_cast %swap3A_118 : vector<1x16xf32> to vector<16xf32>
    %swap3A_120 = vector.shape_cast %scan3A_60#9 : vector<16xf32> to vector<1x16xf32>
    tpu.vector_store %arg7[%swap3A_116, %swap3A_117], %swap3A_120 {strides = array<i32>} : memref<19x16xf32, #tpu.memory_space<vmem>>, vector<1x16xf32>,
    %swap3A_121 = arith.constant 10 : i32
    %swap3A_122 = arith.index_cast %swap3A_121 : i32 to index
    %swap3A_123 = arith.constant 0 : index
    %swap3A_124 = tpu.vector_load %arg7[%swap3A_122, %swap3A_123] {strides = array<i32>} : memref<19x16xf32, #tpu.memory_space<vmem>>, vector<1x16xf32>,
    %swap3A_125 = vector.shape_cast %swap3A_124 : vector<1x16xf32> to vector<16xf32>
    %swap3A_126 = vector.shape_cast %scan3A_60#10 : vector<16xf32> to vector<1x16xf32>
    tpu.vector_store %arg7[%swap3A_122, %swap3A_123], %swap3A_126 {strides = array<i32>} : memref<19x16xf32, #tpu.memory_space<vmem>>, vector<1x16xf32>,
    %swap3A_127 = arith.constant 11 : i32
    %swap3A_128 = arith.index_cast %swap3A_127 : i32 to index
    %swap3A_129 = arith.constant 0 : index
    %swap3A_130 = tpu.vector_load %arg7[%swap3A_128, %swap3A_129] {strides = array<i32>} : memref<19x16xf32, #tpu.memory_space<vmem>>, vector<1x16xf32>,
    %swap3A_131 = vector.shape_cast %swap3A_130 : vector<1x16xf32> to vector<16xf32>
    %swap3A_132 = vector.shape_cast %scan3A_60#11 : vector<16xf32> to vector<1x16xf32>
    tpu.vector_store %arg7[%swap3A_128, %swap3A_129], %swap3A_132 {strides = array<i32>} : memref<19x16xf32, #tpu.memory_space<vmem>>, vector<1x16xf32>,
    %swap3A_133 = arith.constant 12 : i32
    %swap3A_134 = arith.index_cast %swap3A_133 : i32 to index
    %swap3A_135 = arith.constant 0 : index
    %swap3A_136 = tpu.vector_load %arg7[%swap3A_134, %swap3A_135] {strides = array<i32>} : memref<19x16xf32, #tpu.memory_space<vmem>>, vector<1x16xf32>,
    %swap3A_137 = vector.shape_cast %swap3A_136 : vector<1x16xf32> to vector<16xf32>
    %swap3A_138 = vector.shape_cast %scan3A_60#12 : vector<16xf32> to vector<1x16xf32>
    tpu.vector_store %arg7[%swap3A_134, %swap3A_135], %swap3A_138 {strides = array<i32>} : memref<19x16xf32, #tpu.memory_space<vmem>>, vector<1x16xf32>,
    %swap3A_139 = arith.constant 13 : i32
    %swap3A_140 = arith.index_cast %swap3A_139 : i32 to index
    %swap3A_141 = arith.constant 0 : index
    %swap3A_142 = tpu.vector_load %arg7[%swap3A_140, %swap3A_141] {strides = array<i32>} : memref<19x16xf32, #tpu.memory_space<vmem>>, vector<1x16xf32>,
    %swap3A_143 = vector.shape_cast %swap3A_142 : vector<1x16xf32> to vector<16xf32>
    %swap3A_144 = vector.shape_cast %scan3A_60#13 : vector<16xf32> to vector<1x16xf32>
    tpu.vector_store %arg7[%swap3A_140, %swap3A_141], %swap3A_144 {strides = array<i32>} : memref<19x16xf32, #tpu.memory_space<vmem>>, vector<1x16xf32>,
    %swap3A_145 = arith.constant 14 : i32
    %swap3A_146 = arith.index_cast %swap3A_145 : i32 to index
    %swap3A_147 = arith.constant 0 : index
    %swap3A_148 = tpu.vector_load %arg7[%swap3A_146, %swap3A_147] {strides = array<i32>} : memref<19x16xf32, #tpu.memory_space<vmem>>, vector<1x16xf32>,
    %swap3A_149 = vector.shape_cast %swap3A_148 : vector<1x16xf32> to vector<16xf32>
    %swap3A_150 = vector.shape_cast %scan3A_60#14 : vector<16xf32> to vector<1x16xf32>
    tpu.vector_store %arg7[%swap3A_146, %swap3A_147], %swap3A_150 {strides = array<i32>} : memref<19x16xf32, #tpu.memory_space<vmem>>, vector<1x16xf32>,
    %swap3A_151 = arith.constant 15 : i32
    %swap3A_152 = arith.index_cast %swap3A_151 : i32 to index
    %swap3A_153 = arith.constant 0 : index
    %swap3A_154 = tpu.vector_load %arg7[%swap3A_152, %swap3A_153] {strides = array<i32>} : memref<19x16xf32, #tpu.memory_space<vmem>>, vector<1x16xf32>,
    %swap3A_155 = vector.shape_cast %swap3A_154 : vector<1x16xf32> to vector<16xf32>
    %swap3A_156 = vector.shape_cast %scan3A_60#15 : vector<16xf32> to vector<1x16xf32>
    tpu.vector_store %arg7[%swap3A_152, %swap3A_153], %swap3A_156 {strides = array<i32>} : memref<19x16xf32, #tpu.memory_space<vmem>>, vector<1x16xf32>,
    %swap3A_157 = arith.constant 16 : i32
    %swap3A_158 = arith.index_cast %swap3A_157 : i32 to index
    %swap3A_159 = arith.constant 0 : index
    %swap3A_160 = tpu.vector_load %arg7[%swap3A_158, %swap3A_159] {strides = array<i32>} : memref<19x16xf32, #tpu.memory_space<vmem>>, vector<1x16xf32>,
    %swap3A_161 = vector.shape_cast %swap3A_160 : vector<1x16xf32> to vector<16xf32>
    %swap3A_162 = vector.shape_cast %scan3A_60#16 : vector<16xf32> to vector<1x16xf32>
    tpu.vector_store %arg7[%swap3A_158, %swap3A_159], %swap3A_162 {strides = array<i32>} : memref<19x16xf32, #tpu.memory_space<vmem>>, vector<1x16xf32>,
    %swap3A_163 = arith.constant 17 : i32
    %swap3A_164 = arith.index_cast %swap3A_163 : i32 to index
    %swap3A_165 = arith.constant 0 : index
    %swap3A_166 = tpu.vector_load %arg7[%swap3A_164, %swap3A_165] {strides = array<i32>} : memref<19x16xf32, #tpu.memory_space<vmem>>, vector<1x16xf32>,
    %swap3A_167 = vector.shape_cast %swap3A_166 : vector<1x16xf32> to vector<16xf32>
    %swap3A_168 = vector.shape_cast %scan3A_60#17 : vector<16xf32> to vector<1x16xf32>
    tpu.vector_store %arg7[%swap3A_164, %swap3A_165], %swap3A_168 {strides = array<i32>} : memref<19x16xf32, #tpu.memory_space<vmem>>, vector<1x16xf32>,
    %swap3A_169 = arith.constant 18 : i32
    %swap3A_170 = arith.index_cast %swap3A_169 : i32 to index
    %swap3A_171 = arith.constant 0 : index
    %swap3A_172 = tpu.vector_load %arg7[%swap3A_170, %swap3A_171] {strides = array<i32>} : memref<19x16xf32, #tpu.memory_space<vmem>>, vector<1x16xf32>,
    %swap3A_173 = vector.shape_cast %swap3A_172 : vector<1x16xf32> to vector<16xf32>
    %swap3A_174 = vector.shape_cast %scan3A_60#18 : vector<16xf32> to vector<1x16xf32>
    tpu.vector_store %arg7[%swap3A_170, %swap3A_171], %swap3A_174 {strides = array<i32>} : memref<19x16xf32, #tpu.memory_space<vmem>>, vector<1x16xf32>,
    "tpu.region"() ({
      %run_scoped3A = tpu.sem_alloc : memref<!tpu.dma_semaphore, #tpu.memory_space<semaphore_mem>>
      %dma_start3A = arith.constant 0 : i32
      %dma_start3A_175 = arith.constant 0 : i32
      %dma_start3A_176 = tpu.memref_slice %arg4[%add3A, %dma_start3A, %dma_start3A_175] : memref<32x19x16xf32, #tpu.memory_space<hbm>> -> memref<1x19x16xf32, #tpu.memory_space<hbm>>
      %dma_start3A_177 = tpu.memref_squeeze %dma_start3A_176 : memref<1x19x16xf32, #tpu.memory_space<hbm>> -> memref<19x16xf32, #tpu.memory_space<hbm>>
      %dma_start3A_178 = arith.constant 0 : i32
      %dma_start3A_179 = arith.constant 0 : i32
      %dma_start3A_180 = tpu.memref_slice %arg4[%add3A, %dma_start3A_178, %dma_start3A_179] : memref<32x19x16xf32, #tpu.memory_space<hbm>> -> memref<1x19x16xf32, #tpu.memory_space<hbm>>
      %dma_start3A_181 = tpu.memref_squeeze %dma_start3A_180 : memref<1x19x16xf32, #tpu.memory_space<hbm>> -> memref<19x16xf32, #tpu.memory_space<hbm>>
      tpu.enqueue_dma source(%arg7 : memref<19x16xf32, #tpu.memory_space<vmem>>) target(%dma_start3A_181 : memref<19x16xf32, #tpu.memory_space<hbm>>) target_semaphore(%run_scoped3A : memref<!tpu.dma_semaphore, #tpu.memory_space<semaphore_mem>>)
      %dma_wait3A = arith.constant 0 : i32
      %dma_wait3A_182 = arith.constant 0 : i32
      %dma_wait3A_183 = tpu.memref_slice %arg4[%add3A, %dma_wait3A, %dma_wait3A_182] : memref<32x19x16xf32, #tpu.memory_space<hbm>> -> memref<1x19x16xf32, #tpu.memory_space<hbm>>
      %dma_wait3A_184 = tpu.memref_squeeze %dma_wait3A_183 : memref<1x19x16xf32, #tpu.memory_space<hbm>> -> memref<19x16xf32, #tpu.memory_space<hbm>>
      %dma_wait3A_185 = arith.constant 0 : i32
      %dma_wait3A_186 = arith.constant 0 : i32
      %dma_wait3A_187 = tpu.memref_slice %arg4[%add3A, %dma_wait3A_185, %dma_wait3A_186] : memref<32x19x16xf32, #tpu.memory_space<hbm>> -> memref<1x19x16xf32, #tpu.memory_space<hbm>>
      %dma_wait3A_188 = tpu.memref_squeeze %dma_wait3A_187 : memref<1x19x16xf32, #tpu.memory_space<hbm>> -> memref<19x16xf32, #tpu.memory_space<hbm>>
      tpu.wait_dma2 semaphore(%run_scoped3A : memref<!tpu.dma_semaphore, #tpu.memory_space<semaphore_mem>>) src(%arg7 : memref<19x16xf32, #tpu.memory_space<vmem>>) dst(%dma_wait3A_188 : memref<19x16xf32, #tpu.memory_space<hbm>>)
      tpu.yield
    }) : () -> ()
    return
  }
}

module attributes {stable_mosaic.version = 14 : i64} {
  func.func @_hist_body(%arg0: i32, %arg1: memref<3400x80xf32, #tpu.memory_space<vmem>>, %arg2: memref<1x1x3400xi32, #tpu.memory_space<vmem>>, %arg3: memref<10x8x80xf32, #tpu.memory_space<vmem>>, %arg4: memref<10x8x80xf32, #tpu.memory_space<vmem>>) attributes {dimension_semantics = [#tpu.dimension_semantics<arbitrary>], iteration_bounds = array<i64: 132>, scalar_prefetch = 0 : i64, scratch_operands = 0 : i64, tpu.core_type = #tpu.core_type<tc>, window_params = [{transform_indices = @transform_0, window_bounds = array<i64: 3400, 80>}, {transform_indices = @transform_1, window_bounds = array<i64: 1, 1, 3400>}, {pipeline_mode = #tpu.pipeline_mode<synchronous>, transform_indices = @transform_2, window_bounds = array<i64: 10, 8, 80>}, {pipeline_mode = #tpu.pipeline_mode<synchronous>, transform_indices = @transform_3, window_bounds = array<i64: 10, 8, 80>}]} {
    %eq3A = arith.constant 0 : i32
    %eq3A_0 = arith.cmpi eq, %arg0, %eq3A : i32
    %convert_element_type3A = arith.extui %eq3A_0 : i1 to i32
    %cond3A = arith.constant 0 : i32
    %cond3A_1 = arith.cmpi ne, %convert_element_type3A, %cond3A : i32
    scf.if %cond3A_1 {
      %broadcast_in_dim3A_363 = arith.constant 0.000000e+00 : f32
      %broadcast_in_dim3A_364 = vector.broadcast %broadcast_in_dim3A_363 : f32 to vector<10x8x80xf32>
      %swap3A_365 = arith.constant 0 : index
      %swap3A_366 = arith.constant 0 : index
      %swap3A_367 = arith.constant 0 : index
      %swap3A_368 = vector.load %arg3[%swap3A_365, %swap3A_366, %swap3A_367] : memref<10x8x80xf32, #tpu.memory_space<vmem>>, vector<10x8x80xf32>
      tpu.vector_store %arg3[%swap3A_365, %swap3A_366, %swap3A_367], %broadcast_in_dim3A_364 {strides = array<i32>} : memref<10x8x80xf32, #tpu.memory_space<vmem>>, vector<10x8x80xf32>,
      %broadcast_in_dim3A_369 = arith.constant 0.000000e+00 : f32
      %broadcast_in_dim3A_370 = vector.broadcast %broadcast_in_dim3A_369 : f32 to vector<10x8x80xf32>
      %swap3A_371 = arith.constant 0 : index
      %swap3A_372 = arith.constant 0 : index
      %swap3A_373 = arith.constant 0 : index
      %swap3A_374 = vector.load %arg4[%swap3A_371, %swap3A_372, %swap3A_373] : memref<10x8x80xf32, #tpu.memory_space<vmem>>, vector<10x8x80xf32>
      tpu.vector_store %arg4[%swap3A_371, %swap3A_372, %swap3A_373], %broadcast_in_dim3A_370 {strides = array<i32>} : memref<10x8x80xf32, #tpu.memory_space<vmem>>, vector<10x8x80xf32>,
    } else {
    }
    %get3A = arith.constant 0 : index
    %get3A_2 = arith.constant 0 : index
    %get3A_3 = vector.load %arg1[%get3A, %get3A_2] : memref<3400x80xf32, #tpu.memory_space<vmem>>, vector<3400x80xf32>
    %get3A_4 = arith.constant 0 : index
    %get3A_5 = arith.constant 0 : index
    %get3A_6 = arith.constant 0 : index
    %get3A_7 = vector.load %arg2[%get3A_4, %get3A_5, %get3A_6] : memref<1x1x3400xi32, #tpu.memory_space<vmem>>, vector<1x1x3400xi32>
    %reshape3A = vector.shape_cast %get3A_7 : vector<1x1x3400xi32> to vector<1x3400xi32>
    %transpose3A = tpu.transpose %reshape3A, [1, 0] : vector<1x3400xi32> -> vector<3400x1xi32>
    %iota3A = tpu.iota {dimensions = array<i32: 1>} : vector<3400x80xi32>
    %eq3A_8 = vector.broadcast %transpose3A : vector<3400x1xi32> to vector<3400x80xi32>
    %eq3A_9 = arith.cmpi eq, %iota3A, %eq3A_8 : vector<3400x80xi32>
    %neg3A = arith.constant 0.000000e+00 : f32
    %neg3A_10 = vector.broadcast %neg3A : f32 to vector<3400x80xf32>
    %neg3A_11 = arith.subf %neg3A_10, %get3A_3 : vector<3400x80xf32>
    %select_n3A = arith.select %eq3A_9, %neg3A_11, %get3A_3 : vector<3400x80xi1>, vector<3400x80xf32>
    %convert_element_type3A_12 = arith.truncf %select_n3A : vector<3400x80xf32> to vector<3400x80xbf16>
    %max3A = arith.constant 0.000000e+00 : bf16
    %max3A_13 = vector.broadcast %max3A : bf16 to vector<3400x80xbf16>
    %max3A_14 = arith.maximumf %convert_element_type3A_12, %max3A_13 : vector<3400x80xbf16>
    %abs3A = math.absf %convert_element_type3A_12 : vector<3400x80xbf16>
    %neg3A_15 = arith.constant 0.000000e+00 : bf16
    %neg3A_16 = vector.broadcast %neg3A_15 : bf16 to vector<3400x80xbf16>
    %neg3A_17 = arith.subf %neg3A_16, %abs3A : vector<3400x80xbf16>
    %exp3A = math.exp %neg3A_17 : vector<3400x80xbf16>
    %log1p3A = math.log1p %exp3A : vector<3400x80xbf16>
    %add3A = arith.addf %max3A_14, %log1p3A : vector<3400x80xbf16>
    %broadcast_in_dim3A = arith.constant 1.000000e+00 : bf16
    %broadcast_in_dim3A_18 = vector.broadcast %broadcast_in_dim3A : bf16 to vector<1x3400xbf16>
    %broadcast_in_dim3A_19 = arith.constant 0.000000e+00 : bf16
    %broadcast_in_dim3A_20 = vector.broadcast %broadcast_in_dim3A_19 : bf16 to vector<7x3400xbf16>
    %concatenate3A = tpu.concatenate %broadcast_in_dim3A_18, %broadcast_in_dim3A_20 in 0 : vector<1x3400xbf16>, vector<7x3400xbf16> -> vector<8x3400xbf16>
    %get3A_21 = arith.constant 0 : index
    %get3A_22 = arith.constant 0 : index
    %get3A_23 = arith.constant 0 : index
    %get3A_24 = vector.load %arg4[%get3A_21, %get3A_22, %get3A_23] : memref<10x8x80xf32, #tpu.memory_space<vmem>>, vector<1x8x80xf32>
    %get3A_25 = vector.shape_cast %get3A_24 : vector<1x8x80xf32> to vector<8x80xf32>
    %dot_general3A = arith.constant dense<0.000000e+00> : vector<8x80xf32>
    %dot_general3A_26 = tpu.matmul %concatenate3A, %add3A, %dot_general3A {dimension_numbers = #tpu.dot_dimension_numbers<[1], [0], [0], [1], [0, 0, 1, 1], [], []>, transpose_lhs_hint = false} : vector<8x3400xbf16>, vector<3400x80xbf16>, vector<8x80xf32> -> vector<8x80xf32>
    %add3A_27 = arith.addf %get3A_25, %dot_general3A_26 : vector<8x80xf32>
    %swap3A = arith.constant 0 : index
    %swap3A_28 = arith.constant 0 : index
    %swap3A_29 = arith.constant 0 : index
    %swap3A_30 = vector.load %arg4[%swap3A, %swap3A_28, %swap3A_29] : memref<10x8x80xf32, #tpu.memory_space<vmem>>, vector<1x8x80xf32>
    %swap3A_31 = vector.shape_cast %swap3A_30 : vector<1x8x80xf32> to vector<8x80xf32>
    %swap3A_32 = vector.shape_cast %add3A_27 : vector<8x80xf32> to vector<1x8x80xf32>
    tpu.vector_store %arg4[%swap3A, %swap3A_28, %swap3A_29], %swap3A_32 {strides = array<i32>} : memref<10x8x80xf32, #tpu.memory_space<vmem>>, vector<1x8x80xf32>,
    %ge3A = arith.constant -2.203130e+00 : bf16
    %ge3A_33 = vector.broadcast %ge3A : bf16 to vector<3400x80xbf16>
    %ge3A_34 = arith.cmpf oge, %convert_element_type3A_12, %ge3A_33 : vector<3400x80xbf16>
    %jit3A = arith.constant 1.000000e+00 : bf16
    %jit3A_35 = arith.constant 0.000000e+00 : bf16
    %broadcast_in_dim3A_36 = vector.broadcast %jit3A : bf16 to vector<3400x80xbf16>
    %broadcast_in_dim3A_37 = vector.broadcast %jit3A_35 : bf16 to vector<3400x80xbf16>
    %select_n3A_38 = arith.select %ge3A_34, %broadcast_in_dim3A_36, %broadcast_in_dim3A_37 : vector<3400x80xi1>, vector<3400x80xbf16>
    %get3A_39 = arith.constant 1 : index
    %get3A_40 = arith.constant 0 : index
    %get3A_41 = arith.constant 0 : index
    %get3A_42 = vector.load %arg3[%get3A_39, %get3A_40, %get3A_41] : memref<10x8x80xf32, #tpu.memory_space<vmem>>, vector<1x8x80xf32>
    %get3A_43 = vector.shape_cast %get3A_42 : vector<1x8x80xf32> to vector<8x80xf32>
    %dot_general3A_44 = arith.constant dense<0.000000e+00> : vector<8x80xf32>
    %dot_general3A_45 = tpu.matmul %concatenate3A, %select_n3A_38, %dot_general3A_44 {dimension_numbers = #tpu.dot_dimension_numbers<[1], [0], [0], [1], [0, 0, 1, 1], [], []>, transpose_lhs_hint = false} : vector<8x3400xbf16>, vector<3400x80xbf16>, vector<8x80xf32> -> vector<8x80xf32>
    %add3A_46 = arith.addf %get3A_43, %dot_general3A_45 : vector<8x80xf32>
    %swap3A_47 = arith.constant 1 : index
    %swap3A_48 = arith.constant 0 : index
    %swap3A_49 = arith.constant 0 : index
    %swap3A_50 = vector.load %arg3[%swap3A_47, %swap3A_48, %swap3A_49] : memref<10x8x80xf32, #tpu.memory_space<vmem>>, vector<1x8x80xf32>
    %swap3A_51 = vector.shape_cast %swap3A_50 : vector<1x8x80xf32> to vector<8x80xf32>
    %swap3A_52 = vector.shape_cast %add3A_46 : vector<8x80xf32> to vector<1x8x80xf32>
    tpu.vector_store %arg3[%swap3A_47, %swap3A_48, %swap3A_49], %swap3A_52 {strides = array<i32>} : memref<10x8x80xf32, #tpu.memory_space<vmem>>, vector<1x8x80xf32>,
    %get3A_53 = arith.constant 1 : index
    %get3A_54 = arith.constant 0 : index
    %get3A_55 = arith.constant 0 : index
    %get3A_56 = vector.load %arg4[%get3A_53, %get3A_54, %get3A_55] : memref<10x8x80xf32, #tpu.memory_space<vmem>>, vector<1x8x80xf32>
    %get3A_57 = vector.shape_cast %get3A_56 : vector<1x8x80xf32> to vector<8x80xf32>
    %mul3A = arith.mulf %select_n3A_38, %add3A : vector<3400x80xbf16>
    %dot_general3A_58 = arith.constant dense<0.000000e+00> : vector<8x80xf32>
    %dot_general3A_59 = tpu.matmul %concatenate3A, %mul3A, %dot_general3A_58 {dimension_numbers = #tpu.dot_dimension_numbers<[1], [0], [0], [1], [0, 0, 1, 1], [], []>, transpose_lhs_hint = false} : vector<8x3400xbf16>, vector<3400x80xbf16>, vector<8x80xf32> -> vector<8x80xf32>
    %add3A_60 = arith.addf %get3A_57, %dot_general3A_59 : vector<8x80xf32>
    %swap3A_61 = arith.constant 1 : index
    %swap3A_62 = arith.constant 0 : index
    %swap3A_63 = arith.constant 0 : index
    %swap3A_64 = vector.load %arg4[%swap3A_61, %swap3A_62, %swap3A_63] : memref<10x8x80xf32, #tpu.memory_space<vmem>>, vector<1x8x80xf32>
    %swap3A_65 = vector.shape_cast %swap3A_64 : vector<1x8x80xf32> to vector<8x80xf32>
    %swap3A_66 = vector.shape_cast %add3A_60 : vector<8x80xf32> to vector<1x8x80xf32>
    tpu.vector_store %arg4[%swap3A_61, %swap3A_62, %swap3A_63], %swap3A_66 {strides = array<i32>} : memref<10x8x80xf32, #tpu.memory_space<vmem>>, vector<1x8x80xf32>,
    %ge3A_67 = arith.constant -1.382810e+00 : bf16
    %ge3A_68 = vector.broadcast %ge3A_67 : bf16 to vector<3400x80xbf16>
    %ge3A_69 = arith.cmpf oge, %convert_element_type3A_12, %ge3A_68 : vector<3400x80xbf16>
    %jit3A_70 = arith.constant 1.000000e+00 : bf16
    %jit3A_71 = arith.constant 0.000000e+00 : bf16
    %broadcast_in_dim3A_72 = vector.broadcast %jit3A_70 : bf16 to vector<3400x80xbf16>
    %broadcast_in_dim3A_73 = vector.broadcast %jit3A_71 : bf16 to vector<3400x80xbf16>
    %select_n3A_74 = arith.select %ge3A_69, %broadcast_in_dim3A_72, %broadcast_in_dim3A_73 : vector<3400x80xi1>, vector<3400x80xbf16>
    %get3A_75 = arith.constant 2 : index
    %get3A_76 = arith.constant 0 : index
    %get3A_77 = arith.constant 0 : index
    %get3A_78 = vector.load %arg3[%get3A_75, %get3A_76, %get3A_77] : memref<10x8x80xf32, #tpu.memory_space<vmem>>, vector<1x8x80xf32>
    %get3A_79 = vector.shape_cast %get3A_78 : vector<1x8x80xf32> to vector<8x80xf32>
    %dot_general3A_80 = arith.constant dense<0.000000e+00> : vector<8x80xf32>
    %dot_general3A_81 = tpu.matmul %concatenate3A, %select_n3A_74, %dot_general3A_80 {dimension_numbers = #tpu.dot_dimension_numbers<[1], [0], [0], [1], [0, 0, 1, 1], [], []>, transpose_lhs_hint = false} : vector<8x3400xbf16>, vector<3400x80xbf16>, vector<8x80xf32> -> vector<8x80xf32>
    %add3A_82 = arith.addf %get3A_79, %dot_general3A_81 : vector<8x80xf32>
    %swap3A_83 = arith.constant 2 : index
    %swap3A_84 = arith.constant 0 : index
    %swap3A_85 = arith.constant 0 : index
    %swap3A_86 = vector.load %arg3[%swap3A_83, %swap3A_84, %swap3A_85] : memref<10x8x80xf32, #tpu.memory_space<vmem>>, vector<1x8x80xf32>
    %swap3A_87 = vector.shape_cast %swap3A_86 : vector<1x8x80xf32> to vector<8x80xf32>
    %swap3A_88 = vector.shape_cast %add3A_82 : vector<8x80xf32> to vector<1x8x80xf32>
    tpu.vector_store %arg3[%swap3A_83, %swap3A_84, %swap3A_85], %swap3A_88 {strides = array<i32>} : memref<10x8x80xf32, #tpu.memory_space<vmem>>, vector<1x8x80xf32>,
    %get3A_89 = arith.constant 2 : index
    %get3A_90 = arith.constant 0 : index
    %get3A_91 = arith.constant 0 : index
    %get3A_92 = vector.load %arg4[%get3A_89, %get3A_90, %get3A_91] : memref<10x8x80xf32, #tpu.memory_space<vmem>>, vector<1x8x80xf32>
    %get3A_93 = vector.shape_cast %get3A_92 : vector<1x8x80xf32> to vector<8x80xf32>
    %mul3A_94 = arith.mulf %select_n3A_74, %add3A : vector<3400x80xbf16>
    %dot_general3A_95 = arith.constant dense<0.000000e+00> : vector<8x80xf32>
    %dot_general3A_96 = tpu.matmul %concatenate3A, %mul3A_94, %dot_general3A_95 {dimension_numbers = #tpu.dot_dimension_numbers<[1], [0], [0], [1], [0, 0, 1, 1], [], []>, transpose_lhs_hint = false} : vector<8x3400xbf16>, vector<3400x80xbf16>, vector<8x80xf32> -> vector<8x80xf32>
    %add3A_97 = arith.addf %get3A_93, %dot_general3A_96 : vector<8x80xf32>
    %swap3A_98 = arith.constant 2 : index
    %swap3A_99 = arith.constant 0 : index
    %swap3A_100 = arith.constant 0 : index
    %swap3A_101 = vector.load %arg4[%swap3A_98, %swap3A_99, %swap3A_100] : memref<10x8x80xf32, #tpu.memory_space<vmem>>, vector<1x8x80xf32>
    %swap3A_102 = vector.shape_cast %swap3A_101 : vector<1x8x80xf32> to vector<8x80xf32>
    %swap3A_103 = vector.shape_cast %add3A_97 : vector<8x80xf32> to vector<1x8x80xf32>
    tpu.vector_store %arg4[%swap3A_98, %swap3A_99, %swap3A_100], %swap3A_103 {strides = array<i32>} : memref<10x8x80xf32, #tpu.memory_space<vmem>>, vector<1x8x80xf32>,
    %ge3A_104 = arith.constant -8.476560e-01 : bf16
    %ge3A_105 = vector.broadcast %ge3A_104 : bf16 to vector<3400x80xbf16>
    %ge3A_106 = arith.cmpf oge, %convert_element_type3A_12, %ge3A_105 : vector<3400x80xbf16>
    %jit3A_107 = arith.constant 1.000000e+00 : bf16
    %jit3A_108 = arith.constant 0.000000e+00 : bf16
    %broadcast_in_dim3A_109 = vector.broadcast %jit3A_107 : bf16 to vector<3400x80xbf16>
    %broadcast_in_dim3A_110 = vector.broadcast %jit3A_108 : bf16 to vector<3400x80xbf16>
    %select_n3A_111 = arith.select %ge3A_106, %broadcast_in_dim3A_109, %broadcast_in_dim3A_110 : vector<3400x80xi1>, vector<3400x80xbf16>
    %get3A_112 = arith.constant 3 : index
    %get3A_113 = arith.constant 0 : index
    %get3A_114 = arith.constant 0 : index
    %get3A_115 = vector.load %arg3[%get3A_112, %get3A_113, %get3A_114] : memref<10x8x80xf32, #tpu.memory_space<vmem>>, vector<1x8x80xf32>
    %get3A_116 = vector.shape_cast %get3A_115 : vector<1x8x80xf32> to vector<8x80xf32>
    %dot_general3A_117 = arith.constant dense<0.000000e+00> : vector<8x80xf32>
    %dot_general3A_118 = tpu.matmul %concatenate3A, %select_n3A_111, %dot_general3A_117 {dimension_numbers = #tpu.dot_dimension_numbers<[1], [0], [0], [1], [0, 0, 1, 1], [], []>, transpose_lhs_hint = false} : vector<8x3400xbf16>, vector<3400x80xbf16>, vector<8x80xf32> -> vector<8x80xf32>
    %add3A_119 = arith.addf %get3A_116, %dot_general3A_118 : vector<8x80xf32>
    %swap3A_120 = arith.constant 3 : index
    %swap3A_121 = arith.constant 0 : index
    %swap3A_122 = arith.constant 0 : index
    %swap3A_123 = vector.load %arg3[%swap3A_120, %swap3A_121, %swap3A_122] : memref<10x8x80xf32, #tpu.memory_space<vmem>>, vector<1x8x80xf32>
    %swap3A_124 = vector.shape_cast %swap3A_123 : vector<1x8x80xf32> to vector<8x80xf32>
    %swap3A_125 = vector.shape_cast %add3A_119 : vector<8x80xf32> to vector<1x8x80xf32>
    tpu.vector_store %arg3[%swap3A_120, %swap3A_121, %swap3A_122], %swap3A_125 {strides = array<i32>} : memref<10x8x80xf32, #tpu.memory_space<vmem>>, vector<1x8x80xf32>,
    %get3A_126 = arith.constant 3 : index
    %get3A_127 = arith.constant 0 : index
    %get3A_128 = arith.constant 0 : index
    %get3A_129 = vector.load %arg4[%get3A_126, %get3A_127, %get3A_128] : memref<10x8x80xf32, #tpu.memory_space<vmem>>, vector<1x8x80xf32>
    %get3A_130 = vector.shape_cast %get3A_129 : vector<1x8x80xf32> to vector<8x80xf32>
    %mul3A_131 = arith.mulf %select_n3A_111, %add3A : vector<3400x80xbf16>
    %dot_general3A_132 = arith.constant dense<0.000000e+00> : vector<8x80xf32>
    %dot_general3A_133 = tpu.matmul %concatenate3A, %mul3A_131, %dot_general3A_132 {dimension_numbers = #tpu.dot_dimension_numbers<[1], [0], [0], [1], [0, 0, 1, 1], [], []>, transpose_lhs_hint = false} : vector<8x3400xbf16>, vector<3400x80xbf16>, vector<8x80xf32> -> vector<8x80xf32>
    %add3A_134 = arith.addf %get3A_130, %dot_general3A_133 : vector<8x80xf32>
    %swap3A_135 = arith.constant 3 : index
    %swap3A_136 = arith.constant 0 : index
    %swap3A_137 = arith.constant 0 : index
    %swap3A_138 = vector.load %arg4[%swap3A_135, %swap3A_136, %swap3A_137] : memref<10x8x80xf32, #tpu.memory_space<vmem>>, vector<1x8x80xf32>
    %swap3A_139 = vector.shape_cast %swap3A_138 : vector<1x8x80xf32> to vector<8x80xf32>
    %swap3A_140 = vector.shape_cast %add3A_134 : vector<8x80xf32> to vector<1x8x80xf32>
    tpu.vector_store %arg4[%swap3A_135, %swap3A_136, %swap3A_137], %swap3A_140 {strides = array<i32>} : memref<10x8x80xf32, #tpu.memory_space<vmem>>, vector<1x8x80xf32>,
    %ge3A_141 = arith.constant -4.062500e-01 : bf16
    %ge3A_142 = vector.broadcast %ge3A_141 : bf16 to vector<3400x80xbf16>
    %ge3A_143 = arith.cmpf oge, %convert_element_type3A_12, %ge3A_142 : vector<3400x80xbf16>
    %jit3A_144 = arith.constant 1.000000e+00 : bf16
    %jit3A_145 = arith.constant 0.000000e+00 : bf16
    %broadcast_in_dim3A_146 = vector.broadcast %jit3A_144 : bf16 to vector<3400x80xbf16>
    %broadcast_in_dim3A_147 = vector.broadcast %jit3A_145 : bf16 to vector<3400x80xbf16>
    %select_n3A_148 = arith.select %ge3A_143, %broadcast_in_dim3A_146, %broadcast_in_dim3A_147 : vector<3400x80xi1>, vector<3400x80xbf16>
    %get3A_149 = arith.constant 4 : index
    %get3A_150 = arith.constant 0 : index
    %get3A_151 = arith.constant 0 : index
    %get3A_152 = vector.load %arg3[%get3A_149, %get3A_150, %get3A_151] : memref<10x8x80xf32, #tpu.memory_space<vmem>>, vector<1x8x80xf32>
    %get3A_153 = vector.shape_cast %get3A_152 : vector<1x8x80xf32> to vector<8x80xf32>
    %dot_general3A_154 = arith.constant dense<0.000000e+00> : vector<8x80xf32>
    %dot_general3A_155 = tpu.matmul %concatenate3A, %select_n3A_148, %dot_general3A_154 {dimension_numbers = #tpu.dot_dimension_numbers<[1], [0], [0], [1], [0, 0, 1, 1], [], []>, transpose_lhs_hint = false} : vector<8x3400xbf16>, vector<3400x80xbf16>, vector<8x80xf32> -> vector<8x80xf32>
    %add3A_156 = arith.addf %get3A_153, %dot_general3A_155 : vector<8x80xf32>
    %swap3A_157 = arith.constant 4 : index
    %swap3A_158 = arith.constant 0 : index
    %swap3A_159 = arith.constant 0 : index
    %swap3A_160 = vector.load %arg3[%swap3A_157, %swap3A_158, %swap3A_159] : memref<10x8x80xf32, #tpu.memory_space<vmem>>, vector<1x8x80xf32>
    %swap3A_161 = vector.shape_cast %swap3A_160 : vector<1x8x80xf32> to vector<8x80xf32>
    %swap3A_162 = vector.shape_cast %add3A_156 : vector<8x80xf32> to vector<1x8x80xf32>
    tpu.vector_store %arg3[%swap3A_157, %swap3A_158, %swap3A_159], %swap3A_162 {strides = array<i32>} : memref<10x8x80xf32, #tpu.memory_space<vmem>>, vector<1x8x80xf32>,
    %get3A_163 = arith.constant 4 : index
    %get3A_164 = arith.constant 0 : index
    %get3A_165 = arith.constant 0 : index
    %get3A_166 = vector.load %arg4[%get3A_163, %get3A_164, %get3A_165] : memref<10x8x80xf32, #tpu.memory_space<vmem>>, vector<1x8x80xf32>
    %get3A_167 = vector.shape_cast %get3A_166 : vector<1x8x80xf32> to vector<8x80xf32>
    %mul3A_168 = arith.mulf %select_n3A_148, %add3A : vector<3400x80xbf16>
    %dot_general3A_169 = arith.constant dense<0.000000e+00> : vector<8x80xf32>
    %dot_general3A_170 = tpu.matmul %concatenate3A, %mul3A_168, %dot_general3A_169 {dimension_numbers = #tpu.dot_dimension_numbers<[1], [0], [0], [1], [0, 0, 1, 1], [], []>, transpose_lhs_hint = false} : vector<8x3400xbf16>, vector<3400x80xbf16>, vector<8x80xf32> -> vector<8x80xf32>
    %add3A_171 = arith.addf %get3A_167, %dot_general3A_170 : vector<8x80xf32>
    %swap3A_172 = arith.constant 4 : index
    %swap3A_173 = arith.constant 0 : index
    %swap3A_174 = arith.constant 0 : index
    %swap3A_175 = vector.load %arg4[%swap3A_172, %swap3A_173, %swap3A_174] : memref<10x8x80xf32, #tpu.memory_space<vmem>>, vector<1x8x80xf32>
    %swap3A_176 = vector.shape_cast %swap3A_175 : vector<1x8x80xf32> to vector<8x80xf32>
    %swap3A_177 = vector.shape_cast %add3A_171 : vector<8x80xf32> to vector<1x8x80xf32>
    tpu.vector_store %arg4[%swap3A_172, %swap3A_173, %swap3A_174], %swap3A_177 {strides = array<i32>} : memref<10x8x80xf32, #tpu.memory_space<vmem>>, vector<1x8x80xf32>,
    %ge3A_178 = arith.constant 0.000000e+00 : bf16
    %ge3A_179 = vector.broadcast %ge3A_178 : bf16 to vector<3400x80xbf16>
    %ge3A_180 = arith.cmpf oge, %convert_element_type3A_12, %ge3A_179 : vector<3400x80xbf16>
    %jit3A_181 = arith.constant 1.000000e+00 : bf16
    %jit3A_182 = arith.constant 0.000000e+00 : bf16
    %broadcast_in_dim3A_183 = vector.broadcast %jit3A_181 : bf16 to vector<3400x80xbf16>
    %broadcast_in_dim3A_184 = vector.broadcast %jit3A_182 : bf16 to vector<3400x80xbf16>
    %select_n3A_185 = arith.select %ge3A_180, %broadcast_in_dim3A_183, %broadcast_in_dim3A_184 : vector<3400x80xi1>, vector<3400x80xbf16>
    %get3A_186 = arith.constant 5 : index
    %get3A_187 = arith.constant 0 : index
    %get3A_188 = arith.constant 0 : index
    %get3A_189 = vector.load %arg3[%get3A_186, %get3A_187, %get3A_188] : memref<10x8x80xf32, #tpu.memory_space<vmem>>, vector<1x8x80xf32>
    %get3A_190 = vector.shape_cast %get3A_189 : vector<1x8x80xf32> to vector<8x80xf32>
    %dot_general3A_191 = arith.constant dense<0.000000e+00> : vector<8x80xf32>
    %dot_general3A_192 = tpu.matmul %concatenate3A, %select_n3A_185, %dot_general3A_191 {dimension_numbers = #tpu.dot_dimension_numbers<[1], [0], [0], [1], [0, 0, 1, 1], [], []>, transpose_lhs_hint = false} : vector<8x3400xbf16>, vector<3400x80xbf16>, vector<8x80xf32> -> vector<8x80xf32>
    %add3A_193 = arith.addf %get3A_190, %dot_general3A_192 : vector<8x80xf32>
    %swap3A_194 = arith.constant 5 : index
    %swap3A_195 = arith.constant 0 : index
    %swap3A_196 = arith.constant 0 : index
    %swap3A_197 = vector.load %arg3[%swap3A_194, %swap3A_195, %swap3A_196] : memref<10x8x80xf32, #tpu.memory_space<vmem>>, vector<1x8x80xf32>
    %swap3A_198 = vector.shape_cast %swap3A_197 : vector<1x8x80xf32> to vector<8x80xf32>
    %swap3A_199 = vector.shape_cast %add3A_193 : vector<8x80xf32> to vector<1x8x80xf32>
    tpu.vector_store %arg3[%swap3A_194, %swap3A_195, %swap3A_196], %swap3A_199 {strides = array<i32>} : memref<10x8x80xf32, #tpu.memory_space<vmem>>, vector<1x8x80xf32>,
    %get3A_200 = arith.constant 5 : index
    %get3A_201 = arith.constant 0 : index
    %get3A_202 = arith.constant 0 : index
    %get3A_203 = vector.load %arg4[%get3A_200, %get3A_201, %get3A_202] : memref<10x8x80xf32, #tpu.memory_space<vmem>>, vector<1x8x80xf32>
    %get3A_204 = vector.shape_cast %get3A_203 : vector<1x8x80xf32> to vector<8x80xf32>
    %mul3A_205 = arith.mulf %select_n3A_185, %add3A : vector<3400x80xbf16>
    %dot_general3A_206 = arith.constant dense<0.000000e+00> : vector<8x80xf32>
    %dot_general3A_207 = tpu.matmul %concatenate3A, %mul3A_205, %dot_general3A_206 {dimension_numbers = #tpu.dot_dimension_numbers<[1], [0], [0], [1], [0, 0, 1, 1], [], []>, transpose_lhs_hint = false} : vector<8x3400xbf16>, vector<3400x80xbf16>, vector<8x80xf32> -> vector<8x80xf32>
    %add3A_208 = arith.addf %get3A_204, %dot_general3A_207 : vector<8x80xf32>
    %swap3A_209 = arith.constant 5 : index
    %swap3A_210 = arith.constant 0 : index
    %swap3A_211 = arith.constant 0 : index
    %swap3A_212 = vector.load %arg4[%swap3A_209, %swap3A_210, %swap3A_211] : memref<10x8x80xf32, #tpu.memory_space<vmem>>, vector<1x8x80xf32>
    %swap3A_213 = vector.shape_cast %swap3A_212 : vector<1x8x80xf32> to vector<8x80xf32>
    %swap3A_214 = vector.shape_cast %add3A_208 : vector<8x80xf32> to vector<1x8x80xf32>
    tpu.vector_store %arg4[%swap3A_209, %swap3A_210, %swap3A_211], %swap3A_214 {strides = array<i32>} : memref<10x8x80xf32, #tpu.memory_space<vmem>>, vector<1x8x80xf32>,
    %ge3A_215 = arith.constant 4.062500e-01 : bf16
    %ge3A_216 = vector.broadcast %ge3A_215 : bf16 to vector<3400x80xbf16>
    %ge3A_217 = arith.cmpf oge, %convert_element_type3A_12, %ge3A_216 : vector<3400x80xbf16>
    %jit3A_218 = arith.constant 1.000000e+00 : bf16
    %jit3A_219 = arith.constant 0.000000e+00 : bf16
    %broadcast_in_dim3A_220 = vector.broadcast %jit3A_218 : bf16 to vector<3400x80xbf16>
    %broadcast_in_dim3A_221 = vector.broadcast %jit3A_219 : bf16 to vector<3400x80xbf16>
    %select_n3A_222 = arith.select %ge3A_217, %broadcast_in_dim3A_220, %broadcast_in_dim3A_221 : vector<3400x80xi1>, vector<3400x80xbf16>
    %get3A_223 = arith.constant 6 : index
    %get3A_224 = arith.constant 0 : index
    %get3A_225 = arith.constant 0 : index
    %get3A_226 = vector.load %arg3[%get3A_223, %get3A_224, %get3A_225] : memref<10x8x80xf32, #tpu.memory_space<vmem>>, vector<1x8x80xf32>
    %get3A_227 = vector.shape_cast %get3A_226 : vector<1x8x80xf32> to vector<8x80xf32>
    %dot_general3A_228 = arith.constant dense<0.000000e+00> : vector<8x80xf32>
    %dot_general3A_229 = tpu.matmul %concatenate3A, %select_n3A_222, %dot_general3A_228 {dimension_numbers = #tpu.dot_dimension_numbers<[1], [0], [0], [1], [0, 0, 1, 1], [], []>, transpose_lhs_hint = false} : vector<8x3400xbf16>, vector<3400x80xbf16>, vector<8x80xf32> -> vector<8x80xf32>
    %add3A_230 = arith.addf %get3A_227, %dot_general3A_229 : vector<8x80xf32>
    %swap3A_231 = arith.constant 6 : index
    %swap3A_232 = arith.constant 0 : index
    %swap3A_233 = arith.constant 0 : index
    %swap3A_234 = vector.load %arg3[%swap3A_231, %swap3A_232, %swap3A_233] : memref<10x8x80xf32, #tpu.memory_space<vmem>>, vector<1x8x80xf32>
    %swap3A_235 = vector.shape_cast %swap3A_234 : vector<1x8x80xf32> to vector<8x80xf32>
    %swap3A_236 = vector.shape_cast %add3A_230 : vector<8x80xf32> to vector<1x8x80xf32>
    tpu.vector_store %arg3[%swap3A_231, %swap3A_232, %swap3A_233], %swap3A_236 {strides = array<i32>} : memref<10x8x80xf32, #tpu.memory_space<vmem>>, vector<1x8x80xf32>,
    %get3A_237 = arith.constant 6 : index
    %get3A_238 = arith.constant 0 : index
    %get3A_239 = arith.constant 0 : index
    %get3A_240 = vector.load %arg4[%get3A_237, %get3A_238, %get3A_239] : memref<10x8x80xf32, #tpu.memory_space<vmem>>, vector<1x8x80xf32>
    %get3A_241 = vector.shape_cast %get3A_240 : vector<1x8x80xf32> to vector<8x80xf32>
    %mul3A_242 = arith.mulf %select_n3A_222, %add3A : vector<3400x80xbf16>
    %dot_general3A_243 = arith.constant dense<0.000000e+00> : vector<8x80xf32>
    %dot_general3A_244 = tpu.matmul %concatenate3A, %mul3A_242, %dot_general3A_243 {dimension_numbers = #tpu.dot_dimension_numbers<[1], [0], [0], [1], [0, 0, 1, 1], [], []>, transpose_lhs_hint = false} : vector<8x3400xbf16>, vector<3400x80xbf16>, vector<8x80xf32> -> vector<8x80xf32>
    %add3A_245 = arith.addf %get3A_241, %dot_general3A_244 : vector<8x80xf32>
    %swap3A_246 = arith.constant 6 : index
    %swap3A_247 = arith.constant 0 : index
    %swap3A_248 = arith.constant 0 : index
    %swap3A_249 = vector.load %arg4[%swap3A_246, %swap3A_247, %swap3A_248] : memref<10x8x80xf32, #tpu.memory_space<vmem>>, vector<1x8x80xf32>
    %swap3A_250 = vector.shape_cast %swap3A_249 : vector<1x8x80xf32> to vector<8x80xf32>
    %swap3A_251 = vector.shape_cast %add3A_245 : vector<8x80xf32> to vector<1x8x80xf32>
    tpu.vector_store %arg4[%swap3A_246, %swap3A_247, %swap3A_248], %swap3A_251 {strides = array<i32>} : memref<10x8x80xf32, #tpu.memory_space<vmem>>, vector<1x8x80xf32>,
    %ge3A_252 = arith.constant 8.476560e-01 : bf16
    %ge3A_253 = vector.broadcast %ge3A_252 : bf16 to vector<3400x80xbf16>
    %ge3A_254 = arith.cmpf oge, %convert_element_type3A_12, %ge3A_253 : vector<3400x80xbf16>
    %jit3A_255 = arith.constant 1.000000e+00 : bf16
    %jit3A_256 = arith.constant 0.000000e+00 : bf16
    %broadcast_in_dim3A_257 = vector.broadcast %jit3A_255 : bf16 to vector<3400x80xbf16>
    %broadcast_in_dim3A_258 = vector.broadcast %jit3A_256 : bf16 to vector<3400x80xbf16>
    %select_n3A_259 = arith.select %ge3A_254, %broadcast_in_dim3A_257, %broadcast_in_dim3A_258 : vector<3400x80xi1>, vector<3400x80xbf16>
    %get3A_260 = arith.constant 7 : index
    %get3A_261 = arith.constant 0 : index
    %get3A_262 = arith.constant 0 : index
    %get3A_263 = vector.load %arg3[%get3A_260, %get3A_261, %get3A_262] : memref<10x8x80xf32, #tpu.memory_space<vmem>>, vector<1x8x80xf32>
    %get3A_264 = vector.shape_cast %get3A_263 : vector<1x8x80xf32> to vector<8x80xf32>
    %dot_general3A_265 = arith.constant dense<0.000000e+00> : vector<8x80xf32>
    %dot_general3A_266 = tpu.matmul %concatenate3A, %select_n3A_259, %dot_general3A_265 {dimension_numbers = #tpu.dot_dimension_numbers<[1], [0], [0], [1], [0, 0, 1, 1], [], []>, transpose_lhs_hint = false} : vector<8x3400xbf16>, vector<3400x80xbf16>, vector<8x80xf32> -> vector<8x80xf32>
    %add3A_267 = arith.addf %get3A_264, %dot_general3A_266 : vector<8x80xf32>
    %swap3A_268 = arith.constant 7 : index
    %swap3A_269 = arith.constant 0 : index
    %swap3A_270 = arith.constant 0 : index
    %swap3A_271 = vector.load %arg3[%swap3A_268, %swap3A_269, %swap3A_270] : memref<10x8x80xf32, #tpu.memory_space<vmem>>, vector<1x8x80xf32>
    %swap3A_272 = vector.shape_cast %swap3A_271 : vector<1x8x80xf32> to vector<8x80xf32>
    %swap3A_273 = vector.shape_cast %add3A_267 : vector<8x80xf32> to vector<1x8x80xf32>
    tpu.vector_store %arg3[%swap3A_268, %swap3A_269, %swap3A_270], %swap3A_273 {strides = array<i32>} : memref<10x8x80xf32, #tpu.memory_space<vmem>>, vector<1x8x80xf32>,
    %get3A_274 = arith.constant 7 : index
    %get3A_275 = arith.constant 0 : index
    %get3A_276 = arith.constant 0 : index
    %get3A_277 = vector.load %arg4[%get3A_274, %get3A_275, %get3A_276] : memref<10x8x80xf32, #tpu.memory_space<vmem>>, vector<1x8x80xf32>
    %get3A_278 = vector.shape_cast %get3A_277 : vector<1x8x80xf32> to vector<8x80xf32>
    %mul3A_279 = arith.mulf %select_n3A_259, %add3A : vector<3400x80xbf16>
    %dot_general3A_280 = arith.constant dense<0.000000e+00> : vector<8x80xf32>
    %dot_general3A_281 = tpu.matmul %concatenate3A, %mul3A_279, %dot_general3A_280 {dimension_numbers = #tpu.dot_dimension_numbers<[1], [0], [0], [1], [0, 0, 1, 1], [], []>, transpose_lhs_hint = false} : vector<8x3400xbf16>, vector<3400x80xbf16>, vector<8x80xf32> -> vector<8x80xf32>
    %add3A_282 = arith.addf %get3A_278, %dot_general3A_281 : vector<8x80xf32>
    %swap3A_283 = arith.constant 7 : index
    %swap3A_284 = arith.constant 0 : index
    %swap3A_285 = arith.constant 0 : index
    %swap3A_286 = vector.load %arg4[%swap3A_283, %swap3A_284, %swap3A_285] : memref<10x8x80xf32, #tpu.memory_space<vmem>>, vector<1x8x80xf32>
    %swap3A_287 = vector.shape_cast %swap3A_286 : vector<1x8x80xf32> to vector<8x80xf32>
    %swap3A_288 = vector.shape_cast %add3A_282 : vector<8x80xf32> to vector<1x8x80xf32>
    tpu.vector_store %arg4[%swap3A_283, %swap3A_284, %swap3A_285], %swap3A_288 {strides = array<i32>} : memref<10x8x80xf32, #tpu.memory_space<vmem>>, vector<1x8x80xf32>,
    %ge3A_289 = arith.constant 1.382810e+00 : bf16
    %ge3A_290 = vector.broadcast %ge3A_289 : bf16 to vector<3400x80xbf16>
    %ge3A_291 = arith.cmpf oge, %convert_element_type3A_12, %ge3A_290 : vector<3400x80xbf16>
    %jit3A_292 = arith.constant 1.000000e+00 : bf16
    %jit3A_293 = arith.constant 0.000000e+00 : bf16
    %broadcast_in_dim3A_294 = vector.broadcast %jit3A_292 : bf16 to vector<3400x80xbf16>
    %broadcast_in_dim3A_295 = vector.broadcast %jit3A_293 : bf16 to vector<3400x80xbf16>
    %select_n3A_296 = arith.select %ge3A_291, %broadcast_in_dim3A_294, %broadcast_in_dim3A_295 : vector<3400x80xi1>, vector<3400x80xbf16>
    %get3A_297 = arith.constant 8 : index
    %get3A_298 = arith.constant 0 : index
    %get3A_299 = arith.constant 0 : index
    %get3A_300 = vector.load %arg3[%get3A_297, %get3A_298, %get3A_299] : memref<10x8x80xf32, #tpu.memory_space<vmem>>, vector<1x8x80xf32>
    %get3A_301 = vector.shape_cast %get3A_300 : vector<1x8x80xf32> to vector<8x80xf32>
    %dot_general3A_302 = arith.constant dense<0.000000e+00> : vector<8x80xf32>
    %dot_general3A_303 = tpu.matmul %concatenate3A, %select_n3A_296, %dot_general3A_302 {dimension_numbers = #tpu.dot_dimension_numbers<[1], [0], [0], [1], [0, 0, 1, 1], [], []>, transpose_lhs_hint = false} : vector<8x3400xbf16>, vector<3400x80xbf16>, vector<8x80xf32> -> vector<8x80xf32>
    %add3A_304 = arith.addf %get3A_301, %dot_general3A_303 : vector<8x80xf32>
    %swap3A_305 = arith.constant 8 : index
    %swap3A_306 = arith.constant 0 : index
    %swap3A_307 = arith.constant 0 : index
    %swap3A_308 = vector.load %arg3[%swap3A_305, %swap3A_306, %swap3A_307] : memref<10x8x80xf32, #tpu.memory_space<vmem>>, vector<1x8x80xf32>
    %swap3A_309 = vector.shape_cast %swap3A_308 : vector<1x8x80xf32> to vector<8x80xf32>
    %swap3A_310 = vector.shape_cast %add3A_304 : vector<8x80xf32> to vector<1x8x80xf32>
    tpu.vector_store %arg3[%swap3A_305, %swap3A_306, %swap3A_307], %swap3A_310 {strides = array<i32>} : memref<10x8x80xf32, #tpu.memory_space<vmem>>, vector<1x8x80xf32>,
    %get3A_311 = arith.constant 8 : index
    %get3A_312 = arith.constant 0 : index
    %get3A_313 = arith.constant 0 : index
    %get3A_314 = vector.load %arg4[%get3A_311, %get3A_312, %get3A_313] : memref<10x8x80xf32, #tpu.memory_space<vmem>>, vector<1x8x80xf32>
    %get3A_315 = vector.shape_cast %get3A_314 : vector<1x8x80xf32> to vector<8x80xf32>
    %mul3A_316 = arith.mulf %select_n3A_296, %add3A : vector<3400x80xbf16>
    %dot_general3A_317 = arith.constant dense<0.000000e+00> : vector<8x80xf32>
    %dot_general3A_318 = tpu.matmul %concatenate3A, %mul3A_316, %dot_general3A_317 {dimension_numbers = #tpu.dot_dimension_numbers<[1], [0], [0], [1], [0, 0, 1, 1], [], []>, transpose_lhs_hint = false} : vector<8x3400xbf16>, vector<3400x80xbf16>, vector<8x80xf32> -> vector<8x80xf32>
    %add3A_319 = arith.addf %get3A_315, %dot_general3A_318 : vector<8x80xf32>
    %swap3A_320 = arith.constant 8 : index
    %swap3A_321 = arith.constant 0 : index
    %swap3A_322 = arith.constant 0 : index
    %swap3A_323 = vector.load %arg4[%swap3A_320, %swap3A_321, %swap3A_322] : memref<10x8x80xf32, #tpu.memory_space<vmem>>, vector<1x8x80xf32>
    %swap3A_324 = vector.shape_cast %swap3A_323 : vector<1x8x80xf32> to vector<8x80xf32>
    %swap3A_325 = vector.shape_cast %add3A_319 : vector<8x80xf32> to vector<1x8x80xf32>
    tpu.vector_store %arg4[%swap3A_320, %swap3A_321, %swap3A_322], %swap3A_325 {strides = array<i32>} : memref<10x8x80xf32, #tpu.memory_space<vmem>>, vector<1x8x80xf32>,
    %ge3A_326 = arith.constant 2.203130e+00 : bf16
    %ge3A_327 = vector.broadcast %ge3A_326 : bf16 to vector<3400x80xbf16>
    %ge3A_328 = arith.cmpf oge, %convert_element_type3A_12, %ge3A_327 : vector<3400x80xbf16>
    %jit3A_329 = arith.constant 1.000000e+00 : bf16
    %jit3A_330 = arith.constant 0.000000e+00 : bf16
    %broadcast_in_dim3A_331 = vector.broadcast %jit3A_329 : bf16 to vector<3400x80xbf16>
    %broadcast_in_dim3A_332 = vector.broadcast %jit3A_330 : bf16 to vector<3400x80xbf16>
    %select_n3A_333 = arith.select %ge3A_328, %broadcast_in_dim3A_331, %broadcast_in_dim3A_332 : vector<3400x80xi1>, vector<3400x80xbf16>
    %get3A_334 = arith.constant 9 : index
    %get3A_335 = arith.constant 0 : index
    %get3A_336 = arith.constant 0 : index
    %get3A_337 = vector.load %arg3[%get3A_334, %get3A_335, %get3A_336] : memref<10x8x80xf32, #tpu.memory_space<vmem>>, vector<1x8x80xf32>
    %get3A_338 = vector.shape_cast %get3A_337 : vector<1x8x80xf32> to vector<8x80xf32>
    %dot_general3A_339 = arith.constant dense<0.000000e+00> : vector<8x80xf32>
    %dot_general3A_340 = tpu.matmul %concatenate3A, %select_n3A_333, %dot_general3A_339 {dimension_numbers = #tpu.dot_dimension_numbers<[1], [0], [0], [1], [0, 0, 1, 1], [], []>, transpose_lhs_hint = false} : vector<8x3400xbf16>, vector<3400x80xbf16>, vector<8x80xf32> -> vector<8x80xf32>
    %add3A_341 = arith.addf %get3A_338, %dot_general3A_340 : vector<8x80xf32>
    %swap3A_342 = arith.constant 9 : index
    %swap3A_343 = arith.constant 0 : index
    %swap3A_344 = arith.constant 0 : index
    %swap3A_345 = vector.load %arg3[%swap3A_342, %swap3A_343, %swap3A_344] : memref<10x8x80xf32, #tpu.memory_space<vmem>>, vector<1x8x80xf32>
    %swap3A_346 = vector.shape_cast %swap3A_345 : vector<1x8x80xf32> to vector<8x80xf32>
    %swap3A_347 = vector.shape_cast %add3A_341 : vector<8x80xf32> to vector<1x8x80xf32>
    tpu.vector_store %arg3[%swap3A_342, %swap3A_343, %swap3A_344], %swap3A_347 {strides = array<i32>} : memref<10x8x80xf32, #tpu.memory_space<vmem>>, vector<1x8x80xf32>,
    %get3A_348 = arith.constant 9 : index
    %get3A_349 = arith.constant 0 : index
    %get3A_350 = arith.constant 0 : index
    %get3A_351 = vector.load %arg4[%get3A_348, %get3A_349, %get3A_350] : memref<10x8x80xf32, #tpu.memory_space<vmem>>, vector<1x8x80xf32>
    %get3A_352 = vector.shape_cast %get3A_351 : vector<1x8x80xf32> to vector<8x80xf32>
    %mul3A_353 = arith.mulf %select_n3A_333, %add3A : vector<3400x80xbf16>
    %dot_general3A_354 = arith.constant dense<0.000000e+00> : vector<8x80xf32>
    %dot_general3A_355 = tpu.matmul %concatenate3A, %mul3A_353, %dot_general3A_354 {dimension_numbers = #tpu.dot_dimension_numbers<[1], [0], [0], [1], [0, 0, 1, 1], [], []>, transpose_lhs_hint = false} : vector<8x3400xbf16>, vector<3400x80xbf16>, vector<8x80xf32> -> vector<8x80xf32>
    %add3A_356 = arith.addf %get3A_352, %dot_general3A_355 : vector<8x80xf32>
    %swap3A_357 = arith.constant 9 : index
    %swap3A_358 = arith.constant 0 : index
    %swap3A_359 = arith.constant 0 : index
    %swap3A_360 = vector.load %arg4[%swap3A_357, %swap3A_358, %swap3A_359] : memref<10x8x80xf32, #tpu.memory_space<vmem>>, vector<1x8x80xf32>
    %swap3A_361 = vector.shape_cast %swap3A_360 : vector<1x8x80xf32> to vector<8x80xf32>
    %swap3A_362 = vector.shape_cast %add3A_356 : vector<8x80xf32> to vector<1x8x80xf32>
    tpu.vector_store %arg4[%swap3A_357, %swap3A_358, %swap3A_359], %swap3A_362 {strides = array<i32>} : memref<10x8x80xf32, #tpu.memory_space<vmem>>, vector<1x8x80xf32>,
    return
  }
  func.func @transform_0(%arg0: i32) -> (i32, i32) {
    %c0_i32 = arith.constant 0 : i32
    %c0_i32_0 = arith.constant 0 : i32
    return %arg0, %c0_i32 : i32, i32
  }
  func.func @transform_1(%arg0: i32) -> (i32, i32, i32) {
    %c0_i32 = arith.constant 0 : i32
    %c0_i32_0 = arith.constant 0 : i32
    %c0_i32_1 = arith.constant 0 : i32
    return %arg0, %c0_i32, %c0_i32_0 : i32, i32, i32
  }
  func.func @transform_2(%arg0: i32) -> (i32, i32, i32) {
    %c0_i32 = arith.constant 0 : i32
    %c0_i32_0 = arith.constant 0 : i32
    %c0_i32_1 = arith.constant 0 : i32
    %c0_i32_2 = arith.constant 0 : i32
    return %c0_i32, %c0_i32_0, %c0_i32_1 : i32, i32, i32
  }
  func.func @transform_3(%arg0: i32) -> (i32, i32, i32) {
    %c0_i32 = arith.constant 0 : i32
    %c0_i32_0 = arith.constant 0 : i32
    %c0_i32_1 = arith.constant 0 : i32
    %c0_i32_2 = arith.constant 0 : i32
    return %c0_i32, %c0_i32_0, %c0_i32_1 : i32, i32, i32
  }
}

</mosaic_0001>

<sc_bundles>
// kernel: kernel.4.cloned.1.call-start
scs
__scs_entry_jumppad:
0x0: {  	(pc) =	sbr.rel $0x88, $3  }
0x1: {  	(tag) =	ssettag $0x0;
	lr =	simm.s32 $0x1  }
0x2: {  	[smem:$0x3F9F] =	sst lr;
	_ =	strace $0xD0000000  }
0x3: {  	_ = 	snop  }
0x4: {  	_ = 	snop  }
0x5: {  	_ = 	snop  }
0x6: {  	_ = 	snop  }
0x7: {  	_ = 	snop  }
__scs_overlays_trampoline_lowered:
0x8: {  	[smem:$0x3FAE] =	sst s0  }
0x9: {  	[smem:$0x3FAF] =	sst s1  }
0xa: {  	[smem:$0x3FB0] =	sst s2  }
0xb: {  	[smem:$0x3FB1] =	sst s3  }
0xc: {  	[smem:$0x3FB2] =	sst s4  }
0xd: {  	[smem:$0x3FB3] =	sst s5  }
0xe: {  	[smem:$0x3FB4] =	sst s6  }
0xf: {  	[smem:$0x3FB5] =	sst s7  }
0x10: {  	[smem:$0x3FB6] =	sst s8  }
0x11: {  	[smem:$0x3FB7] =	sst s9;
	s0 =	simm.s32 @!p0 $0x0  }
0x12: {  	s1 =	sld [smem:$0x3F9D];
	s0 =	simm.s32 @p0 $0x1  }
0x13: {  	[smem:$0x3FB8] =	sst s0;
	s0 =	simm.s32 @!p1 $0x0  }
0x14: {  	s2 =	sld [smem:$0x3F9C];
	s0 =	simm.s32 @p1 $0x1  }
0x15: {  	[smem:$0x3FB9] =	sst s0;
	s0 =	simm.s32 @!p2 $0x0  }
0x16: {  	s3 =	sld [smem:$0x3FDB];
	s0 =	simm.s32 @p2 $0x1  }
0x17: {  	s4 =	simm.s32 $0x1BF5;
	[smem:$0x3FBB] =	sst s0  }
0x18: {  	s0 =	sld [smem:$0x3F9E];
	_ =	swait.ge [sflag:s4], $0x0  }
0x19: {  	s7 =	sld [smem:$0x3F9F]  }
0x1a: {  	s8 =	sadd.s32 $0xFFFFE003, lr  }
0x1b: {  	s9 =	sadd.s32 $0xFFFFFEF7, lr;
	s5 =	simm.s32 $0xFFFFFFFF;
	p2 =	slt.u32 s8, $0xFFFFF086  }
0x1c: {  	p1 =	slt.u32 s9, $0xF7A;
	s5 =	simm.s32 @!p2 $0x0  }
0x1d: {  	s5 =	simm.s32 @p1 $0x1;
	p0 =	seq.s32 s7, s2  }
0x1e: {  	s7 =	smul.u32 @!p0 $0xF7A, s2;
	p2 =	seq.s32 @!p0 s5, $0x0  }
0x1f: {  	s9 =	smul.u32 $0xF7A, s1;
	s8 =	simm.s32 @!p0 $0x1BF5;
	p2 =	por !p2, p0  }
0x20: {  	[sflag:s8] =	ssyncset.s32 @!p0 $0xFFFFF086;
	s6 =	sadd.s32 @!p0 s3, s7;
	s7 =	simm.s32 @!p0 $0x108  }
0x21: {  	s3 =	sadd.s32 s3, s9;
	s6 =	sadd.s32 @!p0 $0x88, s6;
	s7 =	simm.s32 @p2 $0x1082  }
0x22: {  	[simem:s7], [sflag:s8] =	dma.local @!p0 [hbm:s6], $0xF7A  }
0x23: {  	s9 =	sor.u32 $0xD0000000, s2;
	s6 =	simm.s32 $0x108;
	_ =	swait.ge @!p0 [sflag:s8], $0x0  }
0x24: {  	s3 =	sadd.s32 $0x88, s3;
	s6 =	simm.s32 @!p1 $0x1082;
	[sflag:s4] =	ssyncset.s32 $0xFFFFF086  }
0x25: {  	[simem:s6], [sflag:s4] =	dma.local [hbm:s3], $0xF7A  }
0x26: {  	[smem:$0x3F9F] =	sst s1;
	(tag) =	ssettag s2;
	_ =	strace s9  }
0x27: {  	s1 =	sld [smem:$0x3FAF]  }
0x28: {  	s2 =	sld [smem:$0x3FB0]  }
0x29: {  	s4 =	sld [smem:$0x3FB2]  }
0x2a: {  	p0 =	seq.s32 s5, $0x0;
	s5 =	sld [smem:$0x3FB3]  }
0x2b: {  	s6 =	sld [smem:$0x3FB4]  }
0x2c: {  	s7 =	sld [smem:$0x3FB5]  }
0x2d: {  	s3 =	simm.s32 $0x108;
	s8 =	sld [smem:$0x3FB6]  }
0x2e: {  	s3 =	simm.s32 @!p0 $0x1082;
	s9 =	sld [smem:$0x3FB7]  }
0x2f: {  	lr =	sadd.s32 s0, s3;
	s0 =	sld [smem:$0x3FAE]  }
0x30: {  	s3 =	sld [smem:$0x3FB1]  }
0x31: {  	[smem:$0x3FBA] =	sst s10  }
0x32: {  	s10 =	sld [smem:$0x3FB8];
	_ =	sdelay $0x3  }
0x33: {  	p0 =	seq.s32 s10, $0x1;
	s10 =	sld [smem:$0x3FBA];
	_ =	sdelay $0x3  }
0x34: {  	[smem:$0x3FBA] =	sst s10  }
0x35: {  	s10 =	sld [smem:$0x3FB9];
	_ =	sdelay $0x3  }
0x36: {  	p1 =	seq.s32 s10, $0x1;
	s10 =	sld [smem:$0x3FBA];
	_ =	sdelay $0x3  }
0x37: {  	[smem:$0x3FBA] =	sst s10  }
0x38: {  	s10 =	sld [smem:$0x3FBB]  }
0x39: {  	_ = 	snop;
	(pc) =	sbr.ind lr, $3  }
0x3a: {  	_ = 	snop  }
0x3b: {  	_ = 	snop  }
0x3c: {  	p2 =	seq.s32 s10, $0x1;
	s10 =	sld [smem:$0x3FBA]  }
0x3d: {  	_ =	shalt  }
0x3e: {  	_ =	shalt  }
0x3f: {  	_ =	shalt  }
0x40: {  	_ =	shalt  }
0x41: {  	_ =	shalt  }
0x42: {  	_ =	shalt  }
0x43: {  	_ =	shalt  }
0x44: {  	_ =	shalt  }
0x45: {  	_ =	shalt  }
0x46: {  	_ =	shalt  }
0x47: {  	_ =	shalt  }
0x48: {  	_ =	shalt  }
0x49: {  	_ =	shalt  }
0x4a: {  	_ =	shalt  }
0x4b: {  	_ =	shalt  }
0x4c: {  	_ =	shalt  }
0x4d: {  	_ =	shalt  }
0x4e: {  	_ =	shalt  }
0x4f: {  	_ =	shalt  }
0x50: {  	_ =	shalt  }
0x51: {  	_ =	shalt  }
0x52: {  	_ =	shalt  }
0x53: {  	_ =	shalt  }
0x54: {  	_ =	shalt  }
0x55: {  	_ =	shalt  }
0x56: {  	_ =	shalt  }
0x57: {  	_ =	shalt  }
0x58: {  	_ =	shalt  }
0x59: {  	_ =	shalt  }
0x5a: {  	_ =	shalt  }
0x5b: {  	_ =	shalt  }
0x5c: {  	_ =	shalt  }
0x5d: {  	_ =	shalt  }
0x5e: {  	_ =	shalt  }
0x5f: {  	_ =	shalt  }
0x60: {  	_ =	shalt  }
0x61: {  	_ =	shalt  }
0x62: {  	_ =	shalt  }
0x63: {  	_ =	shalt  }
0x64: {  	_ =	shalt  }
0x65: {  	_ =	shalt  }
0x66: {  	_ =	shalt  }
0x67: {  	_ =	shalt  }
0x68: {  	_ =	shalt  }
0x69: {  	_ =	shalt  }
0x6a: {  	_ =	shalt  }
0x6b: {  	_ =	shalt  }
0x6c: {  	_ =	shalt  }
0x6d: {  	_ =	shalt  }
0x6e: {  	_ =	shalt  }
0x6f: {  	_ =	shalt  }
0x70: {  	_ =	shalt  }
0x71: {  	_ =	shalt  }
0x72: {  	_ =	shalt  }
0x73: {  	_ =	shalt  }
0x74: {  	_ =	shalt  }
0x75: {  	_ =	shalt  }
0x76: {  	_ =	shalt  }
0x77: {  	_ =	shalt  }
0x78: {  	_ =	shalt  }
0x79: {  	_ =	shalt  }
0x7a: {  	_ =	shalt  }
0x7b: {  	_ =	shalt  }
0x7c: {  	_ =	shalt  }
0x7d: {  	_ =	shalt  }
0x7e: {  	_ =	shalt  }
0x7f: {  	_ =	shalt  }
0x80: {  	_ =	shalt  }
0x81: {  	_ =	shalt  }
0x82: {  	_ =	shalt  }
0x83: {  	_ =	shalt  }
0x84: {  	_ =	shalt  }
0x85: {  	_ =	shalt  }
0x86: {  	_ =	shalt  }
0x87: {  	_ =	shalt  }
.Lfunc_end0:
.L_simem_size_0:
called_computation_lowered:
.L_overlay_start_0:
0x88: {  	s2 =	sld [smem:$0x3FD9]  }
0x89: {  	s3 =	sld [smem:$0x3FFE];
	_ =	sdelay $0x1  }
0x8a: {  	s1 =	srdreg.scid  }
0x8b: {  	s0 =	sand.u32 $0x1, s1  }
0x8c: {  	s17 =	sshll.u32 s0, $0xA;
	s2 =	sadd.s32 s3, s2  }
0x8d: {  	s2 =	sadd.s32 s2, s17  }
0x8e: {  	[smem:$0x3FC6] =	sst s2  }
0x8f: {  	_ = 	snop  }
0x90: {  	s2 =	sld [smem:$0x3FC8];
	(tm) =	ssettm $0x1  }
0x91: {  	s18 =	sld [smem:$0x3FFB];
	_ =	sdelay $0x3  }
0x92: {  	_ =	strace s18  }
0x93: {  	s3 =	sld [smem:$0x3FFC];
	_ =	sdelay $0x3  }
0x94: {  	_ =	strace s3  }
0x95: {  	s3 =	sld [smem:$0x3FFD];
	_ =	sdelay $0x3  }
0x96: {  	_ =	strace s3  }
0x97: {  	_ =	strace $0x8FFFFFFF  }
0x98: {  	s19 =	sld [smem:$0x3FDB];
	_ =	sdelay $0x1  }
0x99: {  	s4 =	simm.s32 $_scs_section_size  }
0x9a: {  	s5 =	simm.s32 $_size__tile_overlayer_lowered;
	s6 =	simm.s32 $_tile_overlayer_lowered  }
0x9b: {  	s22 =	simm.s32 $0x1BFF;
	s21 =	sshll.u32 s6, $0x1;
	s3 =	sadd.s32 s4, s19  }
0x9c: {  	s7 =	simm.s32 $0x0;
	s20 =	sshll.u32 s5, $0x1;
	s5 =	sadd.s32 s21, s3  }
0x9d: {  	[timem:s7], [sflag:s22] =	dma.local [hbm:s5], s20  }
0x9e: {  	_ =	swait.ge [sflag:s22], s20  }
0x9f: {  	s4 =	ssub.s32 $0x0, s20;
	[sflag:s22] =	ssyncset.done $0x0  }
0xa0: {  	[sflag:s22] =	ssyncadd.s32 s4;
	_ =	sdelay $0x1  }
0xa1: {  	s23 =	simm.s32 $0x1B8B  }
0xa2: {  	_ =	swait.ge [sflag:s23], $0x1  }
0xa3: {  	[sflag:s23] =	ssyncset.done $0x0  }
0xa4: {  	s25 =	simm.s32 $0x1B8E;
	s24 =	sld [smem:$0x3FFE];
	[sflag:s23] =	ssyncadd.s32 $0xFFFFFFFF  }
0xa5: {  	s26 =	simm.s32 $execute0_lowered;
	[smem:$0x3FD2] =	sst s25  }
0xa6: {  	s5 =	sshll.u32 s26, $0x1;
	_ =	strace $0x80000046;
	[dreg:$0x1] =	wrdreg $0xFFFFFFFF  }
0xa7: {  	s28 =	simm.s32 $_size_execute0_lowered;
	s3 =	sadd.s32 s3, s5;
	[dreg:$0x0] =	wrdreg $0x0  }
0xa8: {  	s5 =	sshll.u32 s28, $0x1;
	[dreg:$0x2] =	wrdreg s3  }
0xa9: {  	[dreg:$0x3] =	wrdreg s5  }
0xaa: {  	[dreg:$0x4] =	wrdreg $0xC0  }
0xab: {  	_ =	task [dreg:s7], $0x5FFFF  }
0xac: {  	[dreg:$0x1] =	wrdreg $0xFFFFFFFF  }
0xad: {  	[dreg:$0x0] =	wrdreg $0x60  }
0xae: {  	[dreg:$0x2] =	wrdreg s24  }
0xaf: {  	[dreg:$0x3] =	wrdreg s2  }
0xb0: {  	[dreg:$0x4] =	wrdreg $0x9  }
0xb1: {  	_ =	task.clear_ibuf [dreg:s7], $0x5FFFF;
	_ =	strace $0x90000046  }
0xb2: {  	s29 =	simm.s32 $0x9;
	_ =	strace $0x80000048  }
0xb3: {  	_ =	swait.ge [sflag:s29], $0x1  }
0xb4: {  	[sflag:s29] =	ssyncadd.s32 $0xFFFFFFFF  }
0xb5: {  	_ =	strace $0x90000048  }
0xb6: {  	_ =	sfence  }
0xb7: {  	s30 =	sld [smem:$0x0];
	_ =	sdelay $0x2  }
0xb8: {  	s31 =	sshll.u32 s1, $0xD;
	s1 =	sshrl.u32 s1, $0x2  }
0xb9: {  	s3 =	sand.u32 $0x4000, s31;
	s1 =	sadd.s32 s1, s30  }
0xba: {  	s0 =	sor.u32 s3, s0;
	s1 =	sshll.u32 s1, $0x11  }
0xbb: {  	s0 =	sor.u32 s1, s0  }
0xbc: {  	s0 =	sadd.s32 $0x8F2B, s0  }
0xbd: {  	[sflag:s0] =	ssyncadd.remote.s32 $0x1  }
0xbe: {  	_ =	sfence.sel $0xFFFF  }
0xbf: {  	[dreg:$0x0] =	wrdreg $0xFFFFFFFF;
	(pc) =	sbr.abs _section_cstart, $3  }
0xc0: {  	[dreg:$0x1] =	wrdreg $0xFFFFFFFF  }
0xc1: {  	_ =	task.clear_ibuf [dreg:s7], $0x2FFFF;
	_ =	strace $0x9FFFFFFF  }
0xc2: {  	(tm) =	ssettm $0x7FFFFFFF  }
0xc3: {  	_ =	shalt  }
tec
execute0_lowered:
.L_overlay_start_1:
0x0: {  	(tag) =	ssettag $0x1  }
0x1: {  	s1 =	srdreg.scid  }
0x2: {  	s0 =	stileid.u32;
	s2 =	rddreg [dreg:$0x0]  }
0x3: {  	s3 =	rddreg [dreg:$0x1];
	s5 =	sand.u32 $0x1, s1;
	s31 =	sshll.u32 s0, $0x1  }
0x4: {  	s4 =	simm.s32 $0x0;
	v10 =	vlaneseq.u32;
	s1 =	rddreg [dreg:$0x2];
	s6 =	sor.u32 s5, s31  }
0x5: {  	s9 =	simm.s32 $0xC800;
	[smem:$0x7FF] =	sst s4;
	v7 =	vor.u32 $0x20, v10;
	s7 =	smul.u32 $0x180, s6  }
0x6: {  	v8 =	vor.u32 $0x10, v10;
	s5 =	ssub.s32 $0x2, s5;
	_ =	strace $0x80000047;
	[tilespmem:$0x1FFC0] =	vst v7;
	s6 =	smul.u32 $0x640, s6  }
0x7: {  	s10 =	simm.s32 $0xCA00;
	s11 =	simm.s32 $0x0;
	v9 =	vor.u32 $0x30, v10;
	[tilespmem:$0x1FFD0] =	vst v8;
	s8 =	sshrl.u32 s5, $0x1  }
0x8: {  	v11 =	vor.u32 $0x40, v10;
	[tilespmem:$0x1FFE0] =	vst v9;
	s8 =	ssub.s32 s5, s8;
	s7 =	sadd.s32 s7, s2;
	s5 =	sadd.s32 $0x6D920, s6  }
0x9: {  	v1 =	vimm.f32 $0.0e+00;
	[tilespmem:$0x1FFF0] =	vst v11;
	s6 =	sadd.s32 $0x7A1200, s7;
	s7 =	smax.u32 s8, $0x1;
	s8 =	simm.s32 $0x1  }
.LBB2_1:
0xa: {  	v0 =	vimm.f32 $0.0e+00  }
0xb: {  	v3 =	vimm.f32 $0.0e+00;
	v4 =	vimm.f32 $0.0e+00;
	v6 =	vimm.f32 $0.0e+00  }
0xc: {  	v14 =	vimm.f32 $0.0e+00;
	v17 =	vimm.f32 $0.0e+00;
	v15 =	vimm.f32 $0.0e+00  }
0xd: {  	v16 =	vimm.f32 $0.0e+00;
	v13 =	vimm.f32 $0.0e+00;
	v40 =	vimm.f32 $0.0e+00  }
0xe: {  	v44 =	vimm.f32 $0.0e+00;
	v26 =	vimm.f32 $0.0e+00;
	v18 =	vimm.f32 $0.0e+00  }
0xf: {  	v19 =	vimm.f32 $0.0e+00;
	v20 =	vimm.f32 $0.0e+00;
	v21 =	vimm.f32 $0.0e+00  }
0x10: {  	v22 =	vimm.f32 $0.0e+00;
	v23 =	vimm.f32 $0.0e+00;
	v24 =	vimm.f32 $0.0e+00;
	s12 =	simm.s32 $0x0  }
.LBB2_2:
0x11: {  	s13 =	smul.u32 $0x190, s12;
	_ =	sdelay $0x1  }
0x12: {  	s14 =	sadd.s32 s13, s5  }
0x13: {  	s13 =	sshll.u32 s14, $0x4  }
0x14: {  	s15 =	sadd.s32 s2, s13;
	s13 =	simm.s32 $0x0  }
0x15: {  	[tilespmem:s13], [sflag:$0x1] =	stream.linear.gather [hbm4b:s15+s13], $0xC800, $0x38;
	[tilespmem:$0xD600] =	vst v63  }
0x16: {  	_ =	swait.ge [sflag:s8], $0xC800  }
0x17: {  	s14 =	sshrl.u32 s14, $0x3;
	[sflag:s8] =	ssyncset.done $0x0  }
0x18: {  	s14 =	sadd.s32 s3, s14;
	[sflag:s8] =	ssyncadd.s32 $0xFFFF3800  }
0x19: {  	[tilespmem:s9], [sflag:$0x1] =	stream.linear.gather [hbm4b:s14+s13], $0x190, $0x38;
	[tilespmem:$0xD600] =	vst v63  }
0x1a: {  	_ =	swait.ge [sflag:s8], $0x190  }
0x1b: {  	[sflag:s8] =	ssyncset.done $0x0  }
0x1c: {  	s15 =	simm.s32 $0x0;
	s14 =	simm.s32 $0x20;
	[sflag:s8] =	ssyncadd.s32 $0xFFFFFE70  }
.LBB2_3:
0x1d: {  	s16 =	sshll.u32 s15, $0x4  }
0x1e: {  	[tilespmem:$0x1FD40] =	vst v6;
	v6 =	vld [tilespmem:s16+$0xC800]  }
0x1f: {  	[tilespmem:$0x1FD70] =	vst v0;
	v0 =	vld [tilespmem:s14+$0x20]  }
0x20: {  	v5 =	vld [tilespmem:s14+$0xFFFFFFF0]  }
0x21: {  	[tilespmem:$0x1FD60] =	vst v3;
	v3 =	vld [tilespmem:s14+$0x0]  }
0x22: {  	[tilespmem:$0x1FD50] =	vst v4;
	v2 =	vld [tilespmem:s14+$0x10];
	v4 =	vmov s13  }
0x23: {  	[tilespmem:$0x1FD80] =	vst v6;
	v4 =	vperm.xlane v6, v4;
	v6 =	vld [tilespmem:s14+$0xFFFFFFE0];
	_ =	sdelay $0x1  }
0x24: {  	v25 =	vsub.f32 $0.0e+00, v5;
	vm0 =	veq.s32 v4, v11;
	vm1 =	veq.s32 v4, v7  }
0x25: {  	v7 =	vsub.f32 $0.0e+00, v0;
	vm3 =	veq.s32 v4, v8;
	v8 =	vsub.f32 $0.0e+00, v3  }
0x26: {  	vm2 =	veq.s32 v4, v9;
	v9 =	vsub.f32 $0.0e+00, v2;
	vm4 =	veq.s32 v4, v10  }
0x27: {  	v3 =	vsel vm1, v8, v3;
	v0 =	vsel vm0, v7, v0;
	v4 =	vsub.f32 $0.0e+00, v6  }
0x28: {  	vm15 =	vge.f32 v0, $-2.197224620e+00;
	vm13 =	vge.f32 v0, $-1.386294360e+00;
	vm8 =	vge.f32 v0, $-8.472978470e-01  }
0x29: {  	vm1 =	vge.f32 v0, $-4.054650960e-01;
	vm7 =	vge.f32 v0, $0.0e+00;
	vm11 =	vge.f32 v0, $4.054650960e-01  }
0x2a: {  	vm10 =	vge.f32 v0, $8.472978470e-01;
	vm5 =	vge.f32 v0, $2.197224620e+00;
	v43 =	vmax.f32 v0, $0.0e+00  }
0x2b: {  	v10 =	vsel vm4, v4, v6;
	vm4 =	vge.f32 v0, $1.386294360e+00;
	v0 =	vand.u32 $0x7FFFFFFF, v0  }
0x2c: {  	v2 =	vsel vm2, v9, v2;
	v4 =	vand.u32 $0x7FFFFFFF, v10;
	v0 =	vsub.f32 $0.0e+00, v0  }
0x2d: {  	v11 =	vsel vm3, v25, v5;
	v5 =	vand.u32 $0x7FFFFFFF, v2;
	v4 =	vsub.f32 $0.0e+00, v4  }
0x2e: {  	v5 =	vsub.f32 $0.0e+00, v5;
	v6 =	vand.u32 $0x7FFFFFFF, v11;
	v0 =	vmul.f32 $1.442695020e+00, v0  }
0x2f: {  	v6 =	vsub.f32 $0.0e+00, v6;
	v4 =	vmul.f32 $1.442695020e+00, v4  }
0x30: {  	v5 =	vmul.f32 $1.442695020e+00, v5;
	(erf) = vpow2.f32 v0  }
0x31: {  	v0 =	vmul.f32 $1.442695020e+00, v6;
	(erf) = vpow2.f32 v4  }
0x32: {  	(erf) = vpow2.f32 v5  }
0x33: {  	(erf) = vpow2.f32 v0;
	v0 =	vimm.s32 $0x0  }
0x34: {  	v0 =	vsel vm13, $0xFFFFFFFF, v0  }
0x35: {  	[tilespmem:$0x1FDA0] =	vst v0;
	v0 =	vimm.s32 $0x0  }
0x36: {  	v0 =	vsel vm8, $0xFFFFFFFF, v0  }
0x37: {  	[tilespmem:$0x1FDB0] =	vst v0;
	v0 =	vimm.s32 $0x0  }
0x38: {  	v0 =	vsel vm1, $0xFFFFFFFF, v0  }
0x39: {  	[tilespmem:$0x1FDC0] =	vst v0;
	v0 =	vimm.s32 $0x0  }
0x3a: {  	v0 =	vsel vm7, $0xFFFFFFFF, v0  }
0x3b: {  	[tilespmem:$0x1FDD0] =	vst v0;
	v0 =	vimm.s32 $0x0  }
0x3c: {  	v0 =	vsel vm11, $0xFFFFFFFF, v0  }
0x3d: {  	[tilespmem:$0x1FDE0] =	vst v0;
	v0 =	vimm.s32 $0x0  }
0x3e: {  	v0 =	vsel vm10, $0xFFFFFFFF, v0  }
0x3f: {  	[tilespmem:$0x1FDF0] =	vst v0;
	v0 =	vimm.s32 $0x0  }
0x40: {  	v0 =	vsel vm4, $0xFFFFFFFF, v0  }
0x41: {  	v56 =	vmax.f32 v11, $0.0e+00;
	[tilespmem:$0x1FE00] =	vst v0;
	v0 =	vimm.s32 $0x0  }
0x42: {  	v8 =	vimm.s32 $0x0;
	vm2 =	vge.f32 v2, $-2.197224620e+00;
	v0 =	vsel vm5, $0xFFFFFFFF, v0  }
0x43: {  	vm0 =	vge.f32 v2, $-1.386294360e+00;
	vm6 =	vge.f32 v2, $-8.472978470e-01;
	[tilespmem:$0x1FE10] =	vst v0;
	v0 =	vsel vm5, $0x3F800000, v1  }
0x44: {  	vm12 =	vge.f32 v2, $-4.054650960e-01;
	vm14 =	vge.f32 v2, $0.0e+00;
	[tilespmem:$0x1FE20] =	vst v0;
	v0 =	vimm.s32 $0x0  }
0x45: {  	vm9 =	vge.f32 v2, $4.054650960e-01;
	vm3 =	vge.f32 v2, $8.472978470e-01;
	v0 =	vsel vm2, $0xFFFFFFFF, v0  }
0x46: {  	v47 =	vmax.f32 v2, $0.0e+00;
	v7 =	vand.u32 $0x7FFFFFFF, v3;
	[tilespmem:$0x1FE30] =	vst v0;
	v0 =	vimm.s32 $0x0  }
0x47: {  	[tilespmem:$0x1FD20] =	vst v44;
	v51 =	vmax.f32 v3, $0.0e+00;
	v7 =	vsub.f32 $0.0e+00, v7;
	v0 =	vsel vm0, $0xFFFFFFFF, v0  }
0x48: {  	v50 =	vsel vm15, $0x3F800000, v1;
	v44 =	vsel vm13, $0x3F800000, v1;
	[tilespmem:$0x1FE40] =	vst v0;
	v0 =	vimm.s32 $0x0  }
0x49: {  	v42 =	vsel vm8, $0x3F800000, v1;
	v37 =	vsel vm1, $0x3F800000, v1;
	v0 =	vsel vm6, $0xFFFFFFFF, v0  }
0x4a: {  	v36 =	vsel vm7, $0x3F800000, v1;
	v31 =	vsel vm11, $0x3F800000, v1;
	[tilespmem:$0x1FE50] =	vst v0;
	v0 =	vimm.s32 $0x0  }
0x4b: {  	[tilespmem:$0x1FD30] =	vst v16;
	v55 =	vsel vm2, $0x3F800000, v1;
	v49 =	vsel vm0, $0x3F800000, v1;
	v0 =	vsel vm12, $0xFFFFFFFF, v0  }
0x4c: {  	v16 =	vmovc v40;
	v41 =	vsel vm12, $0x3F800000, v1;
	v40 =	vsel vm14, $0x3F800000, v1;
	[tilespmem:$0x1FE60] =	vst v0;
	v0 =	vimm.s32 $0x0  }
0x4d: {  	v4 =	vmul.f32 $1.442695020e+00, v7;
	v5 =	vimm.s32 $0x0;
	v0 =	vsel vm14, $0xFFFFFFFF, v0  }
0x4e: {  	v33 =	vsel vm3, $0x3F800000, v1;
	v5 =	vsel vm15, $0xFFFFFFFF, v5;
	[tilespmem:$0x1FE70] =	vst v0;
	v0 =	vimm.s32 $0x0  }
0x4f: {  	v27 =	vsel vm4, $0x3F800000, v1;
	[tilespmem:$0x1FD90] =	vst v5;
	(erf) = vpow2.f32 v4;
	v0 =	vsel vm9, $0xFFFFFFFF, v0  }
0x50: {  	v5 =	vimm.s32 $0x0;
	vm1 =	vge.f32 v3, $-8.472978470e-01;
	[tilespmem:$0x1FE80] =	vst v0;
	v0 =	vimm.s32 $0x0  }
0x51: {  	v52 =	vsel vm1, $0x3F800000, v1;
	vm4 =	vge.f32 v2, $1.386294360e+00;
	v0 =	vsel vm3, $0xFFFFFFFF, v0  }
0x52: {  	v29 =	vsel vm4, $0x3F800000, v1;
	vm0 =	vge.f32 v3, $-2.197224620e+00;
	[tilespmem:$0x1FE90] =	vst v0;
	v0 =	vimm.s32 $0x0  }
0x53: {  	vm13 =	vmmov vm0;
	v59 =	vsel vm0, $0x3F800000, v1;
	v0 =	vsel vm4, $0xFFFFFFFF, v0  }
0x54: {  	vm0 =	vge.f32 v3, $-4.054650960e-01;
	vm4 =	vge.f32 v2, $2.197224620e+00;
	[tilespmem:$0x1FEA0] =	vst v0;
	v0 =	vimm.s32 $0x0  }
0x55: {  	vm7 =	vge.f32 v11, $8.472978470e-01;
	v46 =	vsel vm0, $0x3F800000, v1;
	v0 =	vsel vm4, $0xFFFFFFFF, v0  }
0x56: {  	vm12 =	vge.f32 v11, $1.386294360e+00;
	vm3 =	vge.f32 v3, $8.472978470e-01;
	[tilespmem:$0x1FEB0] =	vst v0;
	v0 =	vimm.s32 $0x0  }
0x57: {  	v38 =	vsel vm3, $0x3F800000, v1;
	v0 =	vsel vm1, $0xFFFFFFFF, v0;
	vm1 =	vge.f32 v3, $0.0e+00  }
0x58: {  	v63 =	vpop (erf);
	v28 =	vsel vm4, $0x3F800000, v1;
	[tilespmem:$0x1FEC0] =	vst v0;
	v0 =	vimm.s32 $0x0;
	v5 =	vsel vm1, $0xFFFFFFFF, v5  }
0x59: {  	v2 =	vpop (erf);
	v0 =	vsel vm0, $0xFFFFFFFF, v0;
	vm0 =	vge.f32 v3, $4.054650960e-01;
	[tilespmem:$0x1FEE0] =	vst v5;
	v5 =	vimm.s32 $0x0  }
0x5a: {  	v4 =	vmul.f32 $1.011908330e-02, v2;
	vm4 =	vge.f32 v3, $-1.386294360e+00;
	v5 =	vsel vm0, $0xFFFFFFFF, v5  }
0x5b: {  	v39 =	vsel vm0, $0x3F800000, v1;
	vm0 =	vge.f32 v3, $1.386294360e+00;
	[tilespmem:$0x1FEF0] =	vst v5;
	v5 =	vimm.s32 $0x0  }
0x5c: {  	v4 =	vadd.f32 $-5.262485150e-02, v4;
	[tilespmem:$0x1FED0] =	vst v0;
	v8 =	vsel vm0, $0xFFFFFFFF, v8;
	v0 =	vpop (erf);
	v5 =	vsel vm3, $0xFFFFFFFF, v5  }
0x5d: {  	v32 =	vsel vm0, $0x3F800000, v1;
	vm0 =	vge.f32 v3, $2.197224620e+00;
	[tilespmem:$0x1FF00] =	vst v5;
	v6 =	vpop (erf);
	v5 =	vmul.f32 $1.011908330e-02, v63  }
0x5e: {  	v3 =	vmul.f32 v4, v2;
	v35 =	vsel vm0, $0x3F800000, v1;
	v7 =	vmul.f32 $1.011908330e-02, v6  }
0x5f: {  	vm3 =	vge.f32 v11, $-2.197224620e+00;
	v9 =	vmul.f32 $1.011908330e-02, v0;
	v25 =	vpop (erf);
	v5 =	vadd.f32 $-5.262485150e-02, v5  }
0x60: {  	[tilespmem:$0x1FF10] =	vst v8;
	v8 =	vmul.f32 $1.011908330e-02, v25;
	v4 =	vadd.f32 $-5.262485150e-02, v7;
	v7 =	vimm.s32 $0x0  }
0x61: {  	v3 =	vadd.f32 $1.307650360e-01, v3;
	v7 =	vsel vm0, $0xFFFFFFFF, v7;
	v5 =	vmul.f32 v5, v63  }
0x62: {  	vm0 =	vge.f32 v11, $-1.386294360e+00;
	[tilespmem:$0x1FF20] =	vst v7;
	v7 =	vadd.f32 $-5.262485150e-02, v8;
	v8 =	vadd.f32 $-5.262485150e-02, v9  }
0x63: {  	v3 =	vmul.f32 v3, v2;
	vm11 =	vmmov vm0;
	v61 =	vsel vm0, $0x3F800000, v1  }
0x64: {  	vm0 =	vge.f32 v11, $-8.472978470e-01;
	v5 =	vadd.f32 $1.307650360e-01, v5;
	v8 =	vmul.f32 v8, v0  }
0x65: {  	v3 =	vadd.f32 $-2.228362560e-01, v3;
	v9 =	vmul.f32 v4, v6;
	vm15 =	vmmov vm0  }
0x66: {  	v62 =	vsel vm0, $0x3F800000, v1;
	v5 =	vmul.f32 v5, v63;
	v8 =	vadd.f32 $1.307650360e-01, v8  }
0x67: {  	v3 =	vmul.f32 v3, v2;
	vm0 =	vge.f32 v11, $-4.054650960e-01;
	v7 =	vmul.f32 v7, v25  }
0x68: {  	vm14 =	vmmov vm0;
	v5 =	vadd.f32 $-2.228362560e-01, v5;
	v8 =	vmul.f32 v8, v0  }
0x69: {  	v58 =	vsel vm0, $0x3F800000, v1;
	vm0 =	vge.f32 v11, $0.0e+00;
	v7 =	vadd.f32 $1.307650360e-01, v7  }
0x6a: {  	vm2 =	vmmov vm0;
	v5 =	vmul.f32 v5, v63;
	v8 =	vadd.f32 $-2.228362560e-01, v8  }
0x6b: {  	v60 =	vsel vm0, $0x3F800000, v1;
	vm0 =	vge.f32 v11, $4.054650960e-01;
	v7 =	vmul.f32 v7, v25  }
0x6c: {  	v12 =	vadd.f32 $3.269731100e-01, v5;
	v5 =	vimm.s32 $0x0;
	v8 =	vmul.f32 v8, v0  }
0x6d: {  	v54 =	vadd.f32 $3.269731100e-01, v3;
	v7 =	vadd.f32 $-2.228362560e-01, v7;
	v5 =	vsel vm0, $0xFFFFFFFF, v5  }
0x6e: {  	[tilespmem:$0x1FF30] =	vst v5;
	v5 =	vadd.f32 $3.269731100e-01, v8;
	v8 =	vmul.f32 v12, v63;
	v12 =	vimm.s32 $0x0  }
0x6f: {  	v12 =	vsel vm12, $0xFFFFFFFF, v12;
	vm12 =	vge.f32 v11, $2.197224620e+00;
	v11 =	vimm.s32 $0x0  }
0x70: {  	v3 =	vmul.f32 v7, v25;
	v7 =	vmul.f32 v54, v2;
	v11 =	vsel vm12, $0xFFFFFFFF, v11  }
0x71: {  	v54 =	vsel vm0, $0x3F800000, v1;
	vm0 =	vge.f32 v10, $-1.386294360e+00;
	[tilespmem:$0x1FF50] =	vst v11;
	v11 =	vimm.s32 $0x0  }
0x72: {  	v30 =	vsel vm10, $0x3F800000, v1;
	v48 =	vsel vm6, $0x3F800000, v1;
	v11 =	vsel vm0, $0xFFFFFFFF, v11  }
0x73: {  	v9 =	vadd.f32 $1.307650360e-01, v9;
	vm0 =	vge.f32 v10, $-4.054650960e-01;
	[tilespmem:$0x1FF60] =	vst v11;
	v11 =	vimm.s32 $0x0  }
0x74: {  	v34 =	vsel vm9, $0x3F800000, v1;
	v57 =	vmax.f32 v10, $0.0e+00;
	v11 =	vsel vm0, $0xFFFFFFFF, v11  }
0x75: {  	v9 =	vmul.f32 v9, v6;
	vm0 =	vge.f32 v10, $0.0e+00;
	[tilespmem:$0x1FF70] =	vst v11;
	v11 =	vimm.s32 $0x0  }
0x76: {  	vm5 =	vge.f32 v10, $-2.197224620e+00;
	vm6 =	vge.f32 v10, $-8.472978470e-01;
	v11 =	vsel vm0, $0xFFFFFFFF, v11  }
0x77: {  	v9 =	vadd.f32 $-2.228362560e-01, v9;
	vm0 =	vge.f32 v10, $4.054650960e-01;
	[tilespmem:$0x1FF80] =	vst v11;
	v11 =	vimm.s32 $0x0  }
0x78: {  	vm9 =	vge.f32 v10, $1.386294360e+00;
	v53 =	vsel vm4, $0x3F800000, v1;
	v11 =	vsel vm0, $0xFFFFFFFF, v11  }
0x79: {  	v9 =	vmul.f32 v9, v6;
	vm0 =	vge.f32 v10, $8.472978470e-01;
	[tilespmem:$0x1FF90] =	vst v11;
	v11 =	vimm.s32 $0x0  }
0x7a: {  	[tilespmem:$0x1FF40] =	vst v12;
	v11 =	vsel vm0, $0xFFFFFFFF, v11;
	vm0 =	vge.f32 v10, $2.197224620e+00;
	v10 =	vimm.s32 $0x0  }
0x7b: {  	v45 =	vsel vm1, $0x3F800000, v1;
	v4 =	vsel vm3, $0x3F800000, v1;
	[tilespmem:$0x1FFA0] =	vst v11;
	v10 =	vsel vm0, $0xFFFFFFFF, v10  }
0x7c: {  	s17 =	smov.u32 s14;
	s16 =	simm.s32 $0x1;
	v9 =	vadd.f32 $3.269731100e-01, v9;
	v3 =	vadd.f32 $3.269731100e-01, v3;
	vm0 =	vmmov vm4;
	[tilespmem:$0x1FFB0] =	vst v10  }
.LBB2_4:
0x7d: {  	v5 =	vmul.f32 v5, v0;
	_ =	sdelay $0x1  }
0x7e: {  	v12 =	vadd.f32 $-4.992065730e-01, v5  }
0x7f: {  	v10 =	vadd.f32 $-4.992065730e-01, v7;
	v9 =	vmul.f32 v9, v6  }
0x80: {  	v11 =	vmul.f32 v3, v25;
	v12 =	vmul.f32 v12, v0  }
0x81: {  	v10 =	vmul.f32 v10, v2;
	v9 =	vadd.f32 $-4.992065730e-01, v9  }
0x82: {  	v11 =	vadd.f32 $-4.992065730e-01, v11;
	v12 =	vadd.f32 $9.999575010e-01, v12  }
0x83: {  	v10 =	vadd.f32 $9.999575010e-01, v10;
	v9 =	vmul.f32 v9, v6  }
0x84: {  	v8 =	vadd.f32 $-4.992065730e-01, v8;
	v11 =	vmul.f32 v11, v25;
	v0 =	vmul.f32 v12, v0  }
0x85: {  	v2 =	vmul.f32 v10, v2;
	v10 =	vsel vm5, $0x3F800000, v1;
	v9 =	vadd.f32 $9.999575010e-01, v9  }
0x86: {  	v10 =	vadd.f32 v10, v23;
	v0 =	vadd.f32 $5.621959080e-07, v0  }
0x87: {  	v11 =	vadd.f32 $9.999575010e-01, v11;
	v2 =	vadd.f32 $5.621959080e-07, v2  }
0x88: {  	v10 =	vadd.f32 v4, v10;
	v4 =	vadd.f32 v0, v47;
	v0 =	vld [tilespmem:$0x1FFA0]  }
0x89: {  	v8 =	vmul.f32 v8, v63;
	v23 =	vld [tilespmem:$0x1FF80];
	v6 =	vmul.f32 v9, v6  }
0x8a: {  	v9 =	vmul.f32 v11, v25;
	v2 =	vadd.f32 v2, v57  }
0x8b: {  	v8 =	vadd.f32 $9.999575010e-01, v8;
	v6 =	vadd.f32 $5.621959080e-07, v6  }
0x8c: {  	v9 =	vadd.f32 $5.621959080e-07, v9;
	v24 =	vadd.f32 v2, v24  }
0x8d: {  	v25 =	vnsel vm5, $0x0, v2;
	v6 =	vadd.f32 v6, v56;
	vm5 =	vnez.u8 v0;
	v0 =	vld [tilespmem:$0x1FE30]  }
0x8e: {  	v8 =	vmul.f32 v8, v63;
	vm12 =	vnez.u8 v23;
	v22 =	vadd.f32 v25, v22  }
0x8f: {  	v25 =	vadd.f32 v9, v51;
	v23 =	vadd.f32 v6, v24;
	v24 =	vnsel vm3, $0x0, v6  }
0x90: {  	v3 =	vld [tilespmem:$0x1FF40];
	v22 =	vadd.f32 v24, v22  }
0x91: {  	v8 =	vadd.f32 $5.621959080e-07, v8;
	v24 =	vnsel vm13, $0x0, v25  }
0x92: {  	v5 =	vld [tilespmem:$0x1FF50];
	v10 =	vadd.f32 v59, v10;
	v22 =	vadd.f32 v24, v22;
	vm3 =	vnez.u8 v0  }
0x93: {  	v0 =	vadd.f32 v8, v43;
	v24 =	vnsel vm3, $0x0, v4  }
0x94: {  	v8 =	vadd.f32 v55, v10;
	v10 =	vadd.f32 v24, v22;
	v22 =	vld [tilespmem:$0x1FFB0]  }
0x95: {  	vm4 =	vnez.u8 v3;
	v3 =	vimm.s32 $0x0  }
0x96: {  	v3 =	vsel vm4, $0xFFFFFFFF, v3  }
0x97: {  	[tilespmem:$0x1FF40] =	vst v3;
	v3 =	vsel vm4, $0x3F800000, v1;
	vm4 =	vnez.u8 v5;
	v5 =	vimm.s32 $0x0  }
0x98: {  	v63 =	vld [tilespmem:$0x1FF60];
	v5 =	vsel vm4, $0xFFFFFFFF, v5  }
0x99: {  	[tilespmem:$0x1FF50] =	vst v5;
	v5 =	vsel vm4, $0x3F800000, v1;
	vm4 =	vnez.u8 v22;
	v22 =	vld [tilespmem:$0x1FD90];
	_ =	sdelay $0x4  }
0x9a: {  	vm8 =	vnez.u8 v63;
	vm3 =	vnez.u8 v22  }
0x9b: {  	v11 =	vsel vm6, $0x3F800000, v1;
	v59 =	vnsel vm8, $0x0, v2;
	v22 =	vnsel vm3, $0x0, v0  }
0x9c: {  	v22 =	vadd.f32 v22, v10;
	v10 =	vadd.f32 v59, v20;
	v20 =	vnsel vm6, $0x0, v2  }
0x9d: {  	v11 =	vadd.f32 v11, v19;
	v19 =	vnsel vm11, $0x0, v6;
	v18 =	vadd.f32 v20, v18  }
0x9e: {  	v10 =	vadd.f32 v19, v10;
	v19 =	vnsel vm15, $0x0, v6  }
0x9f: {  	v18 =	vadd.f32 v19, v18;
	v19 =	vnsel vm0, $0x0, v25  }
0xa0: {  	v10 =	vadd.f32 v19, v10;
	v19 =	vld [tilespmem:$0x1FEC0];
	_ =	sdelay $0x4  }
0xa1: {  	vm0 =	vnez.u8 v19  }
0xa2: {  	v19 =	vnsel vm0, $0x0, v25  }
0xa3: {  	v18 =	vadd.f32 v19, v18;
	v19 =	vld [tilespmem:$0x1FE40];
	_ =	sdelay $0x4  }
0xa4: {  	vm0 =	vnez.u8 v19  }
0xa5: {  	v19 =	vnsel vm0, $0x0, v4  }
0xa6: {  	v10 =	vadd.f32 v19, v10;
	v19 =	vld [tilespmem:$0x1FE50];
	_ =	sdelay $0x4  }
0xa7: {  	vm0 =	vnez.u8 v19  }
0xa8: {  	v19 =	vnsel vm0, $0x0, v4  }
0xa9: {  	v18 =	vadd.f32 v19, v18;
	v19 =	vld [tilespmem:$0x1FDA0]  }
0xaa: {  	v11 =	vadd.f32 v62, v11;
	_ =	sdelay $0x1  }
0xab: {  	v11 =	vadd.f32 v52, v11;
	_ =	sdelay $0x1  }
0xac: {  	v12 =	vld [tilespmem:$0x1FF70];
	v11 =	vadd.f32 v48, v11;
	vm3 =	vnez.u8 v19  }
0xad: {  	v19 =	vnsel vm3, $0x0, v0  }
0xae: {  	v20 =	vadd.f32 v19, v10;
	v19 =	vadd.f32 v42, v11;
	v11 =	vld [tilespmem:$0x1FD20];
	_ =	sdelay $0x2  }
0xaf: {  	vm10 =	vnez.u8 v12  }
0xb0: {  	v10 =	vnsel vm10, $0x0, v2  }
0xb1: {  	v10 =	vadd.f32 v10, v11;
	v11 =	vnsel vm12, $0x0, v2  }
0xb2: {  	v11 =	vadd.f32 v11, v13;
	v13 =	vnsel vm14, $0x0, v6  }
0xb3: {  	v10 =	vadd.f32 v13, v10;
	v13 =	vnsel vm2, $0x0, v6  }
0xb4: {  	v11 =	vadd.f32 v13, v11;
	v13 =	vld [tilespmem:$0x1FED0];
	_ =	sdelay $0x4  }
0xb5: {  	vm0 =	vnez.u8 v13  }
0xb6: {  	v13 =	vnsel vm0, $0x0, v25  }
0xb7: {  	v23 =	vadd.f32 v25, v23;
	v10 =	vadd.f32 v13, v10;
	v13 =	vld [tilespmem:$0x1FEE0];
	_ =	sdelay $0x1  }
0xb8: {  	v23 =	vadd.f32 v4, v23;
	_ =	sdelay $0x1  }
0xb9: {  	v63 =	vsel vm8, $0x3F800000, v1;
	v24 =	vadd.f32 v0, v23  }
0xba: {  	v23 =	vadd.f32 v50, v8;
	v8 =	vadd.f32 v63, v21;
	vm0 =	vnez.u8 v13  }
0xbb: {  	v13 =	vnsel vm0, $0x0, v25  }
0xbc: {  	v8 =	vadd.f32 v61, v8;
	v11 =	vadd.f32 v13, v11;
	v13 =	vld [tilespmem:$0x1FE60];
	_ =	sdelay $0x1  }
0xbd: {  	v8 =	vadd.f32 v53, v8;
	_ =	sdelay $0x1  }
0xbe: {  	v8 =	vadd.f32 v49, v8  }
0xbf: {  	vm0 =	vnez.u8 v13  }
0xc0: {  	v21 =	vadd.f32 v44, v8;
	v8 =	vld [tilespmem:$0x1FDB0];
	v13 =	vnsel vm0, $0x0, v4  }
0xc1: {  	v10 =	vadd.f32 v13, v10;
	v13 =	vld [tilespmem:$0x1FE70];
	_ =	sdelay $0x3  }
0xc2: {  	vm8 =	vnez.u8 v8  }
0xc3: {  	v12 =	vsel vm10, $0x3F800000, v1;
	v8 =	vnsel vm8, $0x0, v0;
	vm0 =	vnez.u8 v13  }
0xc4: {  	v18 =	vadd.f32 v8, v18;
	v8 =	vadd.f32 v12, v26;
	v13 =	vnsel vm0, $0x0, v4  }
0xc5: {  	v11 =	vadd.f32 v13, v11;
	v13 =	vld [tilespmem:$0x1FDC0]  }
0xc6: {  	v8 =	vadd.f32 v58, v8;
	_ =	sdelay $0x1  }
0xc7: {  	v8 =	vadd.f32 v46, v8;
	_ =	sdelay $0x1  }
0xc8: {  	v56 =	vsel vm12, $0x3F800000, v1;
	v8 =	vadd.f32 v41, v8;
	vm0 =	vnez.u8 v13  }
0xc9: {  	v12 =	vadd.f32 v56, v16;
	v13 =	vnsel vm0, $0x0, v0  }
0xca: {  	v26 =	vadd.f32 v37, v8;
	v8 =	vadd.f32 v13, v10;
	_ =	sdelay $0x1  }
0xcb: {  	v12 =	vadd.f32 v60, v12;
	[tilespmem:$0x1FD20] =	vst v8;
	v8 =	vld [tilespmem:$0x1FDD0];
	_ =	sdelay $0x1  }
0xcc: {  	v12 =	vadd.f32 v45, v12;
	_ =	sdelay $0x1  }
0xcd: {  	v12 =	vadd.f32 v40, v12  }
0xce: {  	v9 =	vld [tilespmem:$0x1FF90];
	vm0 =	vnez.u8 v8  }
0xcf: {  	v51 =	vsel vm5, $0x3F800000, v1;
	v16 =	vadd.f32 v36, v12;
	v12 =	vld [tilespmem:$0x1FF30];
	v8 =	vnsel vm0, $0x0, v0  }
0xd0: {  	v13 =	vadd.f32 v8, v11;
	v8 =	vld [tilespmem:$0x1FD30];
	v11 =	vadd.f32 v51, v17  }
0xd1: {  	v7 =	vsel vm7, $0x3F800000, v1  }
0xd2: {  	v7 =	vadd.f32 v7, v11;
	v11 =	vld [tilespmem:$0x1FEF0]  }
0xd3: {  	vm1 =	vmmov vm7;
	vm7 =	vnez.u8 v9  }
0xd4: {  	v9 =	vsel vm7, $0x3F800000, v1;
	v10 =	vnsel vm7, $0x0, v2  }
0xd5: {  	vm0 =	vnez.u8 v12;
	v8 =	vadd.f32 v9, v8;
	v9 =	vadd.f32 v10, v15  }
0xd6: {  	v12 =	vnsel vm0, $0x0, v6  }
0xd7: {  	v9 =	vadd.f32 v12, v9;
	vm0 =	vnez.u8 v11  }
0xd8: {  	v11 =	vnsel vm0, $0x0, v25  }
0xd9: {  	v9 =	vadd.f32 v11, v9;
	v11 =	vld [tilespmem:$0x1FF00];
	_ =	sdelay $0x1  }
0xda: {  	v10 =	vnsel vm5, $0x0, v2  }
0xdb: {  	v10 =	vadd.f32 v10, v14  }
0xdc: {  	v12 =	vnsel vm1, $0x0, v6  }
0xdd: {  	v10 =	vadd.f32 v12, v10;
	vm0 =	vnez.u8 v11  }
0xde: {  	v11 =	vnsel vm0, $0x0, v25  }
0xdf: {  	v10 =	vadd.f32 v11, v10;
	v11 =	vld [tilespmem:$0x1FE80];
	_ =	sdelay $0x4  }
0xe0: {  	vm0 =	vnez.u8 v11  }
0xe1: {  	v11 =	vnsel vm0, $0x0, v4  }
0xe2: {  	v8 =	vadd.f32 v54, v8;
	v9 =	vadd.f32 v11, v9;
	v11 =	vld [tilespmem:$0x1FE90];
	_ =	sdelay $0x1  }
0xe3: {  	v8 =	vadd.f32 v39, v8;
	_ =	sdelay $0x1  }
0xe4: {  	v8 =	vadd.f32 v34, v8  }
0xe5: {  	vm0 =	vnez.u8 v11  }
0xe6: {  	v8 =	vadd.f32 v31, v8;
	v11 =	vnsel vm0, $0x0, v4  }
0xe7: {  	v10 =	vadd.f32 v11, v10;
	v11 =	vld [tilespmem:$0x1FDE0]  }
0xe8: {  	[tilespmem:$0x1FD30] =	vst v8;
	v8 =	vld [tilespmem:$0x1FDF0];
	_ =	sdelay $0x3  }
0xe9: {  	vm0 =	vnez.u8 v11  }
0xea: {  	v11 =	vnsel vm0, $0x0, v0;
	vm0 =	vnez.u8 v8  }
0xeb: {  	v7 =	vadd.f32 v38, v7;
	v8 =	vnsel vm0, $0x0, v0  }
0xec: {  	v14 =	vadd.f32 v8, v10;
	v10 =	vld [tilespmem:$0x1FD70]  }
0xed: {  	v7 =	vadd.f32 v33, v7;
	_ =	sdelay $0x1  }
0xee: {  	v17 =	vadd.f32 v30, v7;
	v7 =	vld [tilespmem:$0x1FD40]  }
0xef: {  	v15 =	vadd.f32 v11, v9;
	v9 =	vnsel vm9, $0x0, v2;
	v2 =	vnsel vm4, $0x0, v2;
	v8 =	vld [tilespmem:$0x1FD50]  }
0xf0: {  	v2 =	vadd.f32 v2, v10;
	v10 =	vld [tilespmem:$0x1FF40];
	_ =	sdelay $0x3  }
0xf1: {  	v43 =	vsel vm9, $0x3F800000, v1  }
0xf2: {  	v7 =	vadd.f32 v43, v7;
	v8 =	vadd.f32 v9, v8;
	vm0 =	vnez.u8 v10  }
0xf3: {  	v10 =	vnsel vm0, $0x0, v6  }
0xf4: {  	v3 =	vadd.f32 v3, v7;
	v7 =	vadd.f32 v10, v8;
	v8 =	vld [tilespmem:$0x1FF50];
	_ =	sdelay $0x4  }
0xf5: {  	vm0 =	vnez.u8 v8  }
0xf6: {  	v6 =	vnsel vm0, $0x0, v6  }
0xf7: {  	v2 =	vadd.f32 v6, v2;
	v6 =	vld [tilespmem:$0x1FF10];
	_ =	sdelay $0x4  }
0xf8: {  	vm0 =	vnez.u8 v6  }
0xf9: {  	v6 =	vnsel vm0, $0x0, v25  }
0xfa: {  	v6 =	vadd.f32 v6, v7;
	v7 =	vld [tilespmem:$0x1FF20];
	_ =	sdelay $0x4  }
0xfb: {  	vm0 =	vnez.u8 v7  }
0xfc: {  	v7 =	vnsel vm0, $0x0, v25  }
0xfd: {  	v2 =	vadd.f32 v7, v2;
	v7 =	vld [tilespmem:$0x1FEA0];
	_ =	sdelay $0x4  }
0xfe: {  	vm0 =	vnez.u8 v7  }
0xff: {  	v7 =	vnsel vm0, $0x0, v4  }
0x100: {  	v6 =	vadd.f32 v7, v6;
	v7 =	vld [tilespmem:$0x1FEB0];
	_ =	sdelay $0x4  }
0x101: {  	vm0 =	vnez.u8 v7  }
0x102: {  	v4 =	vnsel vm0, $0x0, v4  }
0x103: {  	v2 =	vadd.f32 v4, v2;
	v4 =	vld [tilespmem:$0x1FE00]  }
0x104: {  	v3 =	vadd.f32 v32, v3;
	_ =	sdelay $0x1  }
0x105: {  	v3 =	vadd.f32 v29, v3;
	_ =	sdelay $0x1  }
0x106: {  	v3 =	vadd.f32 v27, v3;
	vm0 =	vnez.u8 v4  }
0x107: {  	v4 =	vnsel vm0, $0x0, v0  }
0x108: {  	[tilespmem:$0x1FD40] =	vst v3;
	v3 =	vadd.f32 v4, v6;
	_ =	sdelay $0x1  }
0x109: {  	[tilespmem:$0x1FD50] =	vst v3;
	v3 =	vld [tilespmem:$0x1FE10];
	_ =	sdelay $0x4  }
0x10a: {  	vm0 =	vnez.u8 v3  }
0x10b: {  	v0 =	vnsel vm0, $0x0, v0  }
0x10c: {  	v9 =	vld [tilespmem:$0x1FD60];
	v0 =	vadd.f32 v0, v2;
	_ =	sdelay $0x1  }
0x10d: {  	[tilespmem:$0x1FD70] =	vst v0;
	v0 =	vld [tilespmem:$0x1FD80];
	_ =	sdelay $0x1  }
0x10e: {  	v57 =	vsel vm4, $0x3F800000, v1  }
0x10f: {  	v9 =	vadd.f32 v57, v9  }
0x110: {  	v3 =	vmov s16  }
0x111: {  	v5 =	vadd.f32 v5, v9;
	v0 =	vperm.xlane v0, v3;
	v3 =	vld [tilespmem:$0x1FFF0]  }
0x112: {  	v6 =	vld [tilespmem:$0x1FE20]  }
0x113: {  	v5 =	vadd.f32 v35, v5;
	_ =	sdelay $0x1  }
0x114: {  	v5 =	vadd.f32 v28, v5  }
0x115: {  	vm0 =	veq.s32 v0, v3;
	v3 =	vld [tilespmem:$0x1FFC0]  }
0x116: {  	s17 =	sadd.s32 $0x80, s17;
	v5 =	vadd.f32 v6, v5  }
0x117: {  	v8 =	vld [tilespmem:s17+$0x20]  }
0x118: {  	[tilespmem:$0x1FD60] =	vst v5;
	v5 =	vld [tilespmem:$0x1FFD0]  }
0x119: {  	v2 =	vld [tilespmem:s17+$0xFFFFFFE0]  }
0x11a: {  	vm1 =	veq.s32 v0, v3;
	v3 =	vld [tilespmem:$0x1FFE0]  }
0x11b: {  	v4 =	vld [tilespmem:s17+$0xFFFFFFF0]  }
0x11c: {  	v9 =	vld [tilespmem:s17+$0x0]  }
0x11d: {  	v10 =	vlaneseq.u32  }
0x11e: {  	vm3 =	veq.s32 v0, v5;
	vm4 =	veq.s32 v0, v10  }
0x11f: {  	vm2 =	veq.s32 v0, v3;
	v3 =	vsub.f32 $0.0e+00, v8;
	v0 =	vsub.f32 $0.0e+00, v2  }
0x120: {  	v10 =	vsub.f32 $0.0e+00, v4  }
0x121: {  	v5 =	vsub.f32 $0.0e+00, v9;
	v3 =	vsel vm0, v3, v8;
	v0 =	vsel vm4, v0, v2  }
0x122: {  	v7 =	vld [tilespmem:s17+$0x10];
	v2 =	vsel vm3, v10, v4;
	v4 =	vimm.s32 $0x0;
	vm4 =	vge.f32 v3, $-4.054650960e-01  }
0x123: {  	v4 =	vsel vm4, $0xFFFFFFFF, v4  }
0x124: {  	v5 =	vsel vm1, v5, v9;
	vm1 =	vge.f32 v3, $0.0e+00;
	[tilespmem:$0x1FDC0] =	vst v4;
	v4 =	vimm.s32 $0x0  }
0x125: {  	v4 =	vsel vm1, $0xFFFFFFFF, v4  }
0x126: {  	vm3 =	vge.f32 v3, $4.054650960e-01;
	[tilespmem:$0x1FDD0] =	vst v4;
	v4 =	vimm.s32 $0x0  }
0x127: {  	v6 =	vsub.f32 $0.0e+00, v7;
	v4 =	vsel vm3, $0xFFFFFFFF, v4  }
0x128: {  	vm15 =	vge.f32 v3, $8.472978470e-01;
	[tilespmem:$0x1FDE0] =	vst v4;
	v4 =	vimm.s32 $0x0  }
0x129: {  	v6 =	vsel vm2, v6, v7;
	v4 =	vsel vm15, $0xFFFFFFFF, v4  }
0x12a: {  	vm2 =	vge.f32 v6, $-2.197224620e+00;
	[tilespmem:$0x1FDF0] =	vst v4;
	v4 =	vimm.s32 $0x0  }
0x12b: {  	v4 =	vsel vm2, $0xFFFFFFFF, v4  }
0x12c: {  	vm14 =	vge.f32 v3, $1.386294360e+00;
	[tilespmem:$0x1FE30] =	vst v4;
	v4 =	vimm.s32 $0x0  }
0x12d: {  	v4 =	vsel vm14, $0xFFFFFFFF, v4  }
0x12e: {  	vm2 =	vge.f32 v6, $-1.386294360e+00;
	[tilespmem:$0x1FE00] =	vst v4;
	v4 =	vimm.s32 $0x0  }
0x12f: {  	v4 =	vsel vm2, $0xFFFFFFFF, v4  }
0x130: {  	vm2 =	vge.f32 v6, $-8.472978470e-01;
	[tilespmem:$0x1FE40] =	vst v4;
	v4 =	vimm.s32 $0x0  }
0x131: {  	v4 =	vsel vm2, $0xFFFFFFFF, v4  }
0x132: {  	vm2 =	vge.f32 v6, $-4.054650960e-01;
	[tilespmem:$0x1FE50] =	vst v4;
	v4 =	vimm.s32 $0x0  }
0x133: {  	v4 =	vsel vm2, $0xFFFFFFFF, v4  }
0x134: {  	vm2 =	vge.f32 v6, $0.0e+00;
	[tilespmem:$0x1FE60] =	vst v4;
	v4 =	vimm.s32 $0x0  }
0x135: {  	v4 =	vsel vm2, $0xFFFFFFFF, v4  }
0x136: {  	vm2 =	vge.f32 v6, $4.054650960e-01;
	[tilespmem:$0x1FE70] =	vst v4;
	v4 =	vimm.s32 $0x0  }
0x137: {  	v4 =	vsel vm2, $0xFFFFFFFF, v4  }
0x138: {  	vm2 =	vge.f32 v6, $8.472978470e-01;
	[tilespmem:$0x1FE80] =	vst v4;
	v4 =	vimm.s32 $0x0  }
0x139: {  	v4 =	vsel vm2, $0xFFFFFFFF, v4  }
0x13a: {  	vm2 =	vge.f32 v6, $1.386294360e+00;
	[tilespmem:$0x1FE90] =	vst v4;
	v4 =	vimm.s32 $0x0  }
0x13b: {  	v4 =	vsel vm2, $0xFFFFFFFF, v4  }
0x13c: {  	vm2 =	vge.f32 v6, $2.197224620e+00;
	[tilespmem:$0x1FEA0] =	vst v4;
	v4 =	vimm.s32 $0x0  }
0x13d: {  	v4 =	vsel vm2, $0xFFFFFFFF, v4  }
0x13e: {  	vm2 =	vge.f32 v5, $-1.386294360e+00;
	[tilespmem:$0x1FEB0] =	vst v4;
	v4 =	vimm.s32 $0x0  }
0x13f: {  	v4 =	vsel vm2, $0xFFFFFFFF, v4  }
0x140: {  	vm2 =	vge.f32 v5, $-8.472978470e-01;
	[tilespmem:$0x1FCA0] =	vst v4;
	v4 =	vimm.s32 $0x0  }
0x141: {  	v4 =	vsel vm2, $0xFFFFFFFF, v4  }
0x142: {  	vm2 =	vge.f32 v5, $0.0e+00;
	[tilespmem:$0x1FEC0] =	vst v4;
	v4 =	vimm.s32 $0x0  }
0x143: {  	v4 =	vsel vm2, $0xFFFFFFFF, v4  }
0x144: {  	vm2 =	vge.f32 v5, $4.054650960e-01;
	[tilespmem:$0x1FEE0] =	vst v4;
	v4 =	vimm.s32 $0x0  }
0x145: {  	v4 =	vsel vm2, $0xFFFFFFFF, v4  }
0x146: {  	vm2 =	vge.f32 v5, $1.386294360e+00;
	[tilespmem:$0x1FEF0] =	vst v4;
	v4 =	vimm.s32 $0x0  }
0x147: {  	v4 =	vsel vm2, $0xFFFFFFFF, v4  }
0x148: {  	vm2 =	vge.f32 v2, $-2.197224620e+00;
	[tilespmem:$0x1FF10] =	vst v4;
	v4 =	vimm.s32 $0x0  }
0x149: {  	v4 =	vsel vm2, $0xFFFFFFFF, v4  }
0x14a: {  	vm2 =	vge.f32 v2, $-1.386294360e+00;
	[tilespmem:$0x1FCB0] =	vst v4;
	v4 =	vimm.s32 $0x0  }
0x14b: {  	v4 =	vsel vm2, $0xFFFFFFFF, v4  }
0x14c: {  	vm2 =	vge.f32 v2, $-8.472978470e-01;
	[tilespmem:$0x1FCE0] =	vst v4;
	v4 =	vimm.s32 $0x0  }
0x14d: {  	v4 =	vsel vm2, $0xFFFFFFFF, v4  }
0x14e: {  	vm2 =	vge.f32 v2, $-4.054650960e-01;
	[tilespmem:$0x1FCF0] =	vst v4;
	v4 =	vimm.s32 $0x0  }
0x14f: {  	v4 =	vsel vm2, $0xFFFFFFFF, v4  }
0x150: {  	vm2 =	vge.f32 v2, $0.0e+00;
	[tilespmem:$0x1FD00] =	vst v4;
	v4 =	vimm.s32 $0x0  }
0x151: {  	v4 =	vsel vm2, $0xFFFFFFFF, v4  }
0x152: {  	vm2 =	vge.f32 v2, $4.054650960e-01;
	[tilespmem:$0x1FD10] =	vst v4;
	v4 =	vimm.s32 $0x0  }
0x153: {  	v4 =	vsel vm2, $0xFFFFFFFF, v4  }
0x154: {  	vm2 =	vge.f32 v2, $8.472978470e-01;
	[tilespmem:$0x1FF30] =	vst v4;
	v4 =	vimm.s32 $0x0  }
0x155: {  	v4 =	vsel vm2, $0xFFFFFFFF, v4  }
0x156: {  	vm9 =	vge.f32 v2, $1.386294360e+00;
	[tilespmem:$0x1FCD0] =	vst v4;
	v4 =	vimm.s32 $0x0  }
0x157: {  	v4 =	vsel vm9, $0xFFFFFFFF, v4  }
0x158: {  	vm9 =	vge.f32 v2, $2.197224620e+00;
	[tilespmem:$0x1FF40] =	vst v4;
	v4 =	vimm.s32 $0x0  }
0x159: {  	v4 =	vsel vm9, $0xFFFFFFFF, v4  }
0x15a: {  	vm2 =	vge.f32 v0, $-1.386294360e+00;
	[tilespmem:$0x1FF50] =	vst v4;
	v4 =	vimm.s32 $0x0  }
0x15b: {  	v4 =	vsel vm2, $0xFFFFFFFF, v4  }
0x15c: {  	vm2 =	vge.f32 v0, $-8.472978470e-01;
	[tilespmem:$0x1FF60] =	vst v4;
	v4 =	vimm.s32 $0x0  }
0x15d: {  	v4 =	vsel vm2, $0xFFFFFFFF, v4  }
0x15e: {  	vm2 =	vge.f32 v0, $-4.054650960e-01;
	[tilespmem:$0x1FCC0] =	vst v4;
	v4 =	vimm.s32 $0x0  }
0x15f: {  	v4 =	vsel vm2, $0xFFFFFFFF, v4  }
0x160: {  	vm2 =	vge.f32 v0, $0.0e+00;
	[tilespmem:$0x1FF70] =	vst v4;
	v4 =	vimm.s32 $0x0  }
0x161: {  	v7 =	vimm.s32 $0x0;
	v4 =	vsel vm2, $0xFFFFFFFF, v4  }
0x162: {  	vm0 =	vge.f32 v3, $-2.197224620e+00;
	vm2 =	vge.f32 v0, $4.054650960e-01;
	[tilespmem:$0x1FF80] =	vst v4;
	v4 =	vimm.s32 $0x0  }
0x163: {  	vm6 =	vge.f32 v0, $-2.197224620e+00;
	vm9 =	vge.f32 v0, $1.386294360e+00;
	v4 =	vsel vm2, $0xFFFFFFFF, v4  }
0x164: {  	v57 =	vmax.f32 v0, $0.0e+00;
	vm2 =	vge.f32 v0, $8.472978470e-01;
	[tilespmem:$0x1FF90] =	vst v4;
	v4 =	vand.u32 $0x7FFFFFFF, v0  }
0x165: {  	v7 =	vsel vm2, $0xFFFFFFFF, v7;
	vm2 =	vge.f32 v0, $2.197224620e+00;
	v0 =	vimm.s32 $0x0  }
0x166: {  	v0 =	vsel vm0, $0xFFFFFFFF, v0  }
0x167: {  	vm8 =	vge.f32 v3, $-1.386294360e+00;
	[tilespmem:$0x1FD90] =	vst v0;
	v0 =	vimm.s32 $0x0  }
0x168: {  	v0 =	vsel vm8, $0xFFFFFFFF, v0  }
0x169: {  	vm12 =	vge.f32 v3, $-8.472978470e-01;
	[tilespmem:$0x1FDA0] =	vst v0;
	v0 =	vimm.s32 $0x0  }
0x16a: {  	v0 =	vsel vm12, $0xFFFFFFFF, v0  }
0x16b: {  	vm13 =	vge.f32 v3, $2.197224620e+00;
	[tilespmem:$0x1FDB0] =	vst v0;
	v0 =	vimm.s32 $0x0  }
0x16c: {  	v0 =	vsel vm13, $0xFFFFFFFF, v0  }
0x16d: {  	[tilespmem:$0x1FE10] =	vst v0;
	v0 =	vsel vm13, $0x3F800000, v1  }
0x16e: {  	[tilespmem:$0x1FE20] =	vst v0;
	v0 =	vld [tilespmem:$0x1FEB0];
	_ =	sdelay $0x4  }
0x16f: {  	vm13 =	vnez.u8 v0;
	v0 =	vld [tilespmem:$0x1FEA0];
	_ =	sdelay $0x4  }
0x170: {  	v42 =	vsel vm12, $0x3F800000, v1;
	vm12 =	vnez.u8 v0;
	v0 =	vld [tilespmem:$0x1FE90];
	_ =	sdelay $0x4  }
0x171: {  	v44 =	vsel vm8, $0x3F800000, v1;
	vm8 =	vnez.u8 v0;
	v0 =	vld [tilespmem:$0x1FE80];
	_ =	sdelay $0x4  }
0x172: {  	v27 =	vsel vm14, $0x3F800000, v1;
	vm14 =	vnez.u8 v0;
	v0 =	vld [tilespmem:$0x1FE70];
	_ =	sdelay $0x4  }
0x173: {  	v50 =	vsel vm0, $0x3F800000, v1;
	vm0 =	vnez.u8 v0;
	v0 =	vld [tilespmem:$0x1FE60];
	_ =	sdelay $0x4  }
0x174: {  	v36 =	vsel vm1, $0x3F800000, v1;
	vm1 =	vnez.u8 v0;
	v0 =	vld [tilespmem:$0x1FEF0];
	_ =	sdelay $0x4  }
0x175: {  	v31 =	vsel vm3, $0x3F800000, v1;
	vm3 =	vnez.u8 v0;
	v0 =	vld [tilespmem:$0x1FF10];
	_ =	sdelay $0x2  }
0x176: {  	v43 =	vmax.f32 v3, $0.0e+00;
	v3 =	vand.u32 $0x7FFFFFFF, v3  }
0x177: {  	vm10 =	vge.f32 v5, $2.197224620e+00;
	v3 =	vsub.f32 $0.0e+00, v3  }
0x178: {  	v37 =	vsel vm4, $0x3F800000, v1;
	vm4 =	vmmov vm10;
	vm10 =	vnez.u8 v0;
	v0 =	vld [tilespmem:$0x1FE30];
	_ =	sdelay $0x1  }
0x179: {  	v3 =	vmul.f32 $1.442695020e+00, v3;
	_ =	sdelay $0x1  }
0x17a: {  	(erf) = vpow2.f32 v3;
	v3 =	vimm.s32 $0x0  }
0x17b: {  	v3 =	vsel vm2, $0xFFFFFFFF, v3;
	vm2 =	vnez.u8 v0;
	v0 =	vld [tilespmem:$0x1FE40];
	_ =	sdelay $0x3  }
0x17c: {  	vm5 =	vge.f32 v5, $-2.197224620e+00;
	vm7 =	vge.f32 v5, $-4.054650960e-01;
	v4 =	vsub.f32 $0.0e+00, v4  }
0x17d: {  	vm11 =	vge.f32 v5, $8.472978470e-01;
	v55 =	vsel vm2, $0x3F800000, v1;
	vm2 =	vnez.u8 v0;
	v0 =	vld [tilespmem:$0x1FE50]  }
0x17e: {  	v51 =	vmax.f32 v5, $0.0e+00;
	v5 =	vand.u32 $0x7FFFFFFF, v5;
	v4 =	vmul.f32 $1.442695020e+00, v4  }
0x17f: {  	v5 =	vsub.f32 $0.0e+00, v5  }
0x180: {  	v47 =	vmax.f32 v6, $0.0e+00;
	v56 =	vmax.f32 v2, $0.0e+00;
	(erf) = vpow2.f32 v4  }
0x181: {  	v6 =	vand.u32 $0x7FFFFFFF, v6;
	[tilespmem:$0x1FFA0] =	vst v7;
	v7 =	vand.u32 $0x7FFFFFFF, v2;
	v2 =	vmul.f32 $1.442695020e+00, v5  }
0x182: {  	v5 =	vimm.s32 $0x0;
	v49 =	vsel vm2, $0x3F800000, v1;
	vm2 =	vnez.u8 v0;
	v0 =	vld [tilespmem:$0x1FEC0]  }
0x183: {  	v6 =	vsub.f32 $0.0e+00, v6;
	v4 =	vsel vm7, $0xFFFFFFFF, v5  }
0x184: {  	v7 =	vsub.f32 $0.0e+00, v7;
	[tilespmem:$0x1FED0] =	vst v4;
	v4 =	vld [tilespmem:$0x1FCB0]  }
0x185: {  	v6 =	vmul.f32 $1.442695020e+00, v6  }
0x186: {  	[tilespmem:$0x1FFB0] =	vst v3;
	v3 =	vmul.f32 $1.442695020e+00, v7  }
0x187: {  	(erf) = vpow2.f32 v6;
	v41 =	vsel vm1, $0x3F800000, v1;
	vm1 =	vnez.u8 v0;
	v0 =	vld [tilespmem:$0x1FCA0]  }
0x188: {  	v63 =	vpop (erf);
	(erf) = vpow2.f32 v3  }
0x189: {  	(erf) = vpow2.f32 v2;
	v2 =	vpop (erf);
	v39 =	vsel vm3, $0x3F800000, v1;
	vm3 =	vnez.u8 v4;
	v4 =	vld [tilespmem:$0x1FCC0]  }
0x18a: {  	v3 =	vmul.f32 $1.011908330e-02, v2  }
0x18b: {  	v59 =	vsel vm5, $0x3F800000, v1;
	v10 =	vld [tilespmem:$0x1FCE0]  }
0x18c: {  	v3 =	vadd.f32 $-5.262485150e-02, v3;
	v40 =	vsel vm0, $0x3F800000, v1;
	vm0 =	vnez.u8 v0;
	v0 =	vld [tilespmem:$0x1FEE0]  }
0x18d: {  	v28 =	vsel vm13, $0x3F800000, v1;
	vm13 =	vmmov vm5;
	vm5 =	vmmov vm6  }
0x18e: {  	v3 =	vmul.f32 v3, v2;
	vm6 =	vnez.u8 v4;
	v4 =	vimm.s32 $0x0  }
0x18f: {  	v9 =	vimm.s32 $0x0;
	v7 =	vld [tilespmem:$0x1FCD0];
	v4 =	vsel vm11, $0xFFFFFFFF, v4  }
0x190: {  	v3 =	vadd.f32 $1.307650360e-01, v3;
	[tilespmem:$0x1FF00] =	vst v4;
	v4 =	vmul.f32 $1.011908330e-02, v63;
	v48 =	vsel vm2, $0x3F800000, v1  }
0x191: {  	v52 =	vsel vm1, $0x3F800000, v1;
	vm1 =	vnez.u8 v10;
	v10 =	vld [tilespmem:$0x1FCF0];
	vm2 =	vnez.u8 v0;
	v0 =	vpop (erf)  }
0x192: {  	v46 =	vsel vm7, $0x3F800000, v1;
	v38 =	vsel vm11, $0x3F800000, v1;
	v30 =	vsel vm15, $0x3F800000, v1;
	v6 =	vpop (erf)  }
0x193: {  	v9 =	vsel vm4, $0xFFFFFFFF, v9;
	v3 =	vmul.f32 v3, v2;
	v4 =	vadd.f32 $-5.262485150e-02, v4;
	v25 =	vpop (erf)  }
0x194: {  	v35 =	vsel vm4, $0x3F800000, v1;
	vm7 =	vnez.u8 v7;
	v7 =	vmul.f32 $1.011908330e-02, v25  }
0x195: {  	[tilespmem:$0x1FF20] =	vst v9;
	v3 =	vadd.f32 $-2.228362560e-01, v3;
	v9 =	vmul.f32 v4, v63;
	vm11 =	vmmov vm1  }
0x196: {  	v61 =	vsel vm1, $0x3F800000, v1;
	vm1 =	vnez.u8 v10;
	v10 =	vld [tilespmem:$0x1FD00];
	v7 =	vadd.f32 $-5.262485150e-02, v7  }
0x197: {  	v9 =	vadd.f32 $1.307650360e-01, v9;
	v8 =	vmul.f32 $1.011908330e-02, v0;
	v5 =	vmul.f32 $1.011908330e-02, v6  }
0x198: {  	v29 =	vsel vm12, $0x3F800000, v1;
	v3 =	vmul.f32 v3, v2;
	v7 =	vmul.f32 v7, v25  }
0x199: {  	v9 =	vmul.f32 v9, v63;
	v8 =	vadd.f32 $-5.262485150e-02, v8;
	v5 =	vadd.f32 $-5.262485150e-02, v5  }
0x19a: {  	vm15 =	vmmov vm1;
	v62 =	vsel vm1, $0x3F800000, v1;
	v7 =	vadd.f32 $1.307650360e-01, v7  }
0x19b: {  	vm1 =	vnez.u8 v10;
	v10 =	vld [tilespmem:$0x1FD10];
	v8 =	vmul.f32 v8, v0;
	v5 =	vmul.f32 v5, v6  }
0x19c: {  	v3 =	vadd.f32 $3.269731100e-01, v3;
	v9 =	vadd.f32 $-2.228362560e-01, v9;
	v7 =	vmul.f32 v7, v25  }
0x19d: {  	v34 =	vsel vm14, $0x3F800000, v1;
	v8 =	vadd.f32 $1.307650360e-01, v8;
	v5 =	vadd.f32 $1.307650360e-01, v5  }
0x19e: {  	v9 =	vmul.f32 v9, v63;
	vm14 =	vmmov vm1;
	v7 =	vadd.f32 $-2.228362560e-01, v7  }
0x19f: {  	v58 =	vsel vm1, $0x3F800000, v1;
	v8 =	vmul.f32 v8, v0;
	v5 =	vmul.f32 v5, v6  }
0x1a0: {  	vm1 =	vnez.u8 v10;
	v10 =	vmul.f32 v7, v25;
	v7 =	vmul.f32 v3, v2;
	v3 =	vld [tilespmem:$0x1FF30]  }
0x1a1: {  	p0 =	sne.s32 s16, $0xF;
	v33 =	vsel vm8, $0x3F800000, v1;
	v8 =	vadd.f32 $-2.228362560e-01, v8;
	v5 =	vadd.f32 $-2.228362560e-01, v5  }
.Ltmp0:
0x1a2: {  	v32 =	vsel vm10, $0x3F800000, v1;
	v4 =	vsel vm3, $0x3F800000, v1;
	v11 =	vadd.f32 $3.269731100e-01, v9;
	(pc) =	sbr.rel @p0 .LBB2_4-.Ltmp0, $4  }
0x1a3: {  	v53 =	vsel vm0, $0x3F800000, v1;
	v8 =	vmul.f32 v8, v0;
	v5 =	vmul.f32 v5, v6  }
0x1a4: {  	v45 =	vsel vm2, $0x3F800000, v1;
	vm2 =	vmmov vm1;
	v60 =	vsel vm1, $0x3F800000, v1  }
0x1a5: {  	v9 =	vadd.f32 $3.269731100e-01, v5;
	v5 =	vadd.f32 $3.269731100e-01, v8;
	vm1 =	vnez.u8 v3  }
0x1a6: {  	s16 =	sadd.s32 $0x1, s16;
	v8 =	vmul.f32 v11, v63;
	v3 =	vadd.f32 $3.269731100e-01, v10;
	v54 =	vsel vm1, $0x3F800000, v1  }
0x1a7: {  	v9 =	vmul.f32 v9, v6  }
0x1a8: {  	v7 =	vadd.f32 $-4.992065730e-01, v7  }
0x1a9: {  	v5 =	vmul.f32 v5, v0;
	v9 =	vadd.f32 $-4.992065730e-01, v9  }
0x1aa: {  	v3 =	vmul.f32 v3, v25;
	v7 =	vmul.f32 v7, v2  }
0x1ab: {  	v8 =	vadd.f32 $-4.992065730e-01, v8;
	v5 =	vadd.f32 $-4.992065730e-01, v5;
	v9 =	vmul.f32 v9, v6  }
0x1ac: {  	v3 =	vadd.f32 $-4.992065730e-01, v3;
	v7 =	vadd.f32 $9.999575010e-01, v7  }
0x1ad: {  	v8 =	vmul.f32 v8, v63;
	v5 =	vmul.f32 v5, v0;
	v9 =	vadd.f32 $9.999575010e-01, v9  }
0x1ae: {  	v3 =	vmul.f32 v3, v25;
	v2 =	vmul.f32 v7, v2  }
0x1af: {  	v7 =	vadd.f32 $9.999575010e-01, v8;
	v5 =	vadd.f32 $9.999575010e-01, v5;
	v6 =	vmul.f32 v9, v6  }
0x1b0: {  	v3 =	vadd.f32 $9.999575010e-01, v3;
	v2 =	vadd.f32 $5.621959080e-07, v2  }
0x1b1: {  	v7 =	vmul.f32 v7, v63;
	v6 =	vadd.f32 $5.621959080e-07, v6  }
0x1b2: {  	v0 =	vmul.f32 v5, v0;
	v8 =	vmul.f32 v3, v25;
	v9 =	vadd.f32 v2, v57  }
0x1b3: {  	v2 =	vsel vm5, $0x3F800000, v1;
	v7 =	vadd.f32 $5.621959080e-07, v7;
	v3 =	vadd.f32 v6, v56  }
0x1b4: {  	v6 =	vadd.f32 v2, v23;
	v2 =	vadd.f32 $5.621959080e-07, v8;
	v5 =	vnsel vm5, $0x0, v9  }
0x1b5: {  	v0 =	vadd.f32 $5.621959080e-07, v0;
	v8 =	vadd.f32 v5, v22;
	v22 =	vld [tilespmem:$0x1FEC0]  }
0x1b6: {  	v5 =	vadd.f32 v2, v51;
	v4 =	vadd.f32 v4, v6;
	v6 =	vld [tilespmem:$0x1FE30]  }
0x1b7: {  	v11 =	vld [tilespmem:$0x1FD90];
	v2 =	vadd.f32 v0, v47;
	v0 =	vadd.f32 v7, v43;
	v7 =	vnsel vm3, $0x0, v3  }
0x1b8: {  	v7 =	vadd.f32 v7, v8;
	v8 =	vld [tilespmem:$0x1FF60]  }
0x1b9: {  	v25 =	vsel vm6, $0x3F800000, v1  }
0x1ba: {  	v43 =	vnsel vm6, $0x0, v9;
	v10 =	vnsel vm13, $0x0, v5;
	vm6 =	vnez.u8 v22;
	v22 =	vld [tilespmem:$0x1FE50]  }
0x1bb: {  	v63 =	vnsel vm15, $0x0, v3;
	v7 =	vadd.f32 v10, v7;
	vm12 =	vnez.u8 v6  }
0x1bc: {  	v18 =	vadd.f32 v43, v18;
	vm13 =	vnez.u8 v11;
	v6 =	vnsel vm12, $0x0, v2  }
0x1bd: {  	v4 =	vadd.f32 v59, v4;
	vm1 =	vnez.u8 v8;
	v6 =	vadd.f32 v6, v7  }
0x1be: {  	v11 =	vnsel vm13, $0x0, v0;
	v8 =	vsel vm1, $0x3F800000, v1;
	v12 =	vnsel vm1, $0x0, v9  }
0x1bf: {  	v7 =	vld [tilespmem:$0x1FE40];
	vm10 =	vnez.u8 v22;
	v22 =	vadd.f32 v11, v6;
	v11 =	vadd.f32 v12, v20  }
0x1c0: {  	v10 =	vnsel vm11, $0x0, v3;
	v6 =	vadd.f32 v8, v21;
	v8 =	vld [tilespmem:$0x1FDB0];
	v12 =	vadd.f32 v25, v19  }
0x1c1: {  	v51 =	vnsel vm0, $0x0, v5;
	v4 =	vadd.f32 v55, v4;
	v19 =	vld [tilespmem:$0x1FF70];
	v10 =	vadd.f32 v10, v11  }
0x1c2: {  	v55 =	vnsel vm6, $0x0, v5;
	v11 =	vadd.f32 v62, v12;
	v12 =	vadd.f32 v63, v18;
	v18 =	vld [tilespmem:$0x1FF80]  }
0x1c3: {  	v23 =	vadd.f32 v50, v4;
	v56 =	vnsel vm10, $0x0, v2;
	v6 =	vadd.f32 v61, v6  }
0x1c4: {  	vm8 =	vnez.u8 v7;
	v10 =	vadd.f32 v51, v10;
	v11 =	vadd.f32 v52, v11  }
0x1c5: {  	v7 =	vnsel vm8, $0x0, v2;
	v6 =	vadd.f32 v53, v6;
	v12 =	vadd.f32 v55, v12  }
0x1c6: {  	v4 =	vld [tilespmem:$0x1FDA0];
	vm8 =	vnez.u8 v8;
	v7 =	vadd.f32 v7, v10;
	v10 =	vadd.f32 v48, v11  }
0x1c7: {  	vm12 =	vnez.u8 v19;
	v12 =	vadd.f32 v56, v12;
	vm13 =	vnez.u8 v18  }
0x1c8: {  	v8 =	vnsel vm8, $0x0, v0;
	v61 =	vsel vm13, $0x3F800000, v1;
	v19 =	vadd.f32 v42, v10;
	v10 =	vld [tilespmem:$0x1FD20]  }
0x1c9: {  	v18 =	vadd.f32 v8, v12;
	v12 =	vadd.f32 v61, v16;
	v16 =	vld [tilespmem:$0x1FDC0]  }
0x1ca: {  	v6 =	vadd.f32 v49, v6  }
0x1cb: {  	vm11 =	vnez.u8 v4;
	v11 =	vld [tilespmem:$0x1FED0]  }
0x1cc: {  	v63 =	vnsel vm14, $0x0, v3;
	v4 =	vnsel vm11, $0x0, v0;
	v21 =	vadd.f32 v44, v6;
	v6 =	vld [tilespmem:$0x1FEE0]  }
0x1cd: {  	v25 =	vsel vm12, $0x3F800000, v1;
	v59 =	vnsel vm12, $0x0, v9;
	v20 =	vadd.f32 v4, v7;
	v4 =	vld [tilespmem:$0x1FE60]  }
0x1ce: {  	v62 =	vnsel vm13, $0x0, v9;
	v10 =	vadd.f32 v59, v10;
	vm6 =	vnez.u8 v16;
	v16 =	vld [tilespmem:$0x1FDD0]  }
0x1cf: {  	v55 =	vnsel vm2, $0x0, v3;
	v7 =	vadd.f32 v25, v26;
	v13 =	vadd.f32 v62, v13  }
0x1d0: {  	v8 =	vld [tilespmem:$0x1FE70];
	vm14 =	vnez.u8 v11;
	v12 =	vadd.f32 v60, v12;
	v10 =	vadd.f32 v63, v10  }
0x1d1: {  	v7 =	vadd.f32 v58, v7;
	v13 =	vadd.f32 v55, v13;
	v11 =	vnsel vm14, $0x0, v5  }
0x1d2: {  	vm15 =	vnez.u8 v6;
	v10 =	vadd.f32 v11, v10;
	v11 =	vadd.f32 v45, v12;
	v12 =	vld [tilespmem:$0x1FFA0]  }
0x1d3: {  	vm4 =	vnez.u8 v4;
	v6 =	vnsel vm15, $0x0, v5;
	vm8 =	vnez.u8 v16;
	v16 =	vld [tilespmem:$0x1FF90]  }
0x1d4: {  	v7 =	vadd.f32 v46, v7;
	v4 =	vnsel vm4, $0x0, v2;
	v6 =	vadd.f32 v6, v13  }
0x1d5: {  	vm5 =	vnez.u8 v8;
	v4 =	vadd.f32 v4, v10;
	v10 =	vadd.f32 v40, v11;
	v11 =	vld [tilespmem:$0x1FF30]  }
0x1d6: {  	v8 =	vnsel vm5, $0x0, v2  }
0x1d7: {  	v7 =	vadd.f32 v41, v7;
	v57 =	vnsel vm6, $0x0, v0;
	v6 =	vadd.f32 v8, v6;
	v8 =	vld [tilespmem:$0x1FEF0]  }
0x1d8: {  	v44 =	vadd.f32 v57, v4;
	vm11 =	vnez.u8 v12;
	vm10 =	vnez.u8 v16  }
0x1d9: {  	v40 =	vadd.f32 v36, v10;
	v12 =	vsel vm11, $0x3F800000, v1;
	v59 =	vnsel vm10, $0x0, v9  }
0x1da: {  	v60 =	vnsel vm11, $0x0, v9;
	vm12 =	vnez.u8 v11;
	v10 =	vadd.f32 v59, v15;
	v15 =	vld [tilespmem:$0x1FF00]  }
0x1db: {  	v12 =	vadd.f32 v12, v17;
	v61 =	vadd.f32 v60, v14;
	v14 =	vld [tilespmem:$0x1FE80];
	v11 =	vnsel vm12, $0x0, v3  }
0x1dc: {  	v4 =	vsel vm7, $0x3F800000, v1;
	vm13 =	vnez.u8 v8;
	v10 =	vadd.f32 v11, v10;
	v11 =	vld [tilespmem:$0x1FE90]  }
0x1dd: {  	v8 =	vnsel vm13, $0x0, v5;
	v4 =	vadd.f32 v4, v12;
	v12 =	vld [tilespmem:$0x1FDE0]  }
0x1de: {  	v26 =	vadd.f32 v37, v7;
	v7 =	vnsel vm7, $0x0, v3;
	v8 =	vadd.f32 v8, v10;
	v10 =	vld [tilespmem:$0x1FDF0]  }
0x1df: {  	v25 =	vnsel vm8, $0x0, v0;
	v7 =	vadd.f32 v7, v61;
	vm14 =	vnez.u8 v15  }
0x1e0: {  	v13 =	vadd.f32 v25, v6;
	v4 =	vadd.f32 v38, v4;
	v25 =	vnsel vm14, $0x0, v5  }
0x1e1: {  	vm15 =	vnez.u8 v14;
	vm4 =	vnez.u8 v11;
	v7 =	vadd.f32 v25, v7  }
0x1e2: {  	v62 =	vnsel vm15, $0x0, v2;
	v4 =	vadd.f32 v33, v4;
	v11 =	vnsel vm4, $0x0, v2  }
0x1e3: {  	v6 =	vld [tilespmem:$0x1FD30];
	vm5 =	vnez.u8 v12;
	vm6 =	vnez.u8 v10;
	v7 =	vadd.f32 v11, v7  }
0x1e4: {  	v8 =	vadd.f32 v62, v8;
	v17 =	vadd.f32 v30, v4;
	v4 =	vld [tilespmem:$0x1FD40];
	v10 =	vnsel vm6, $0x0, v0  }
0x1e5: {  	v12 =	vnsel vm5, $0x0, v0;
	v14 =	vadd.f32 v10, v7;
	v10 =	vld [tilespmem:$0x1FF40]  }
0x1e6: {  	v15 =	vadd.f32 v12, v8;
	v8 =	vld [tilespmem:$0x1FFB0]  }
0x1e7: {  	v58 =	vsel vm10, $0x3F800000, v1  }
0x1e8: {  	v6 =	vadd.f32 v58, v6;
	v12 =	vld [tilespmem:$0x1FD60]  }
0x1e9: {  	v25 =	vsel vm9, $0x3F800000, v1  }
0x1ea: {  	v6 =	vadd.f32 v54, v6;
	v4 =	vadd.f32 v25, v4;
	vm8 =	vnez.u8 v10  }
0x1eb: {  	vm7 =	vnez.u8 v8;
	v10 =	vsel vm8, $0x3F800000, v1  }
0x1ec: {  	v6 =	vadd.f32 v39, v6;
	v8 =	vsel vm7, $0x3F800000, v1;
	v4 =	vadd.f32 v10, v4;
	v10 =	vld [tilespmem:$0x1FF50]  }
0x1ed: {  	v8 =	vadd.f32 v8, v12;
	v12 =	vld [tilespmem:$0x1FD70]  }
0x1ee: {  	v6 =	vadd.f32 v34, v6;
	_ =	sdelay $0x1  }
0x1ef: {  	v16 =	vadd.f32 v31, v6;
	v6 =	vadd.f32 v9, v24  }
0x1f0: {  	v63 =	vnsel vm9, $0x0, v9;
	v9 =	vnsel vm7, $0x0, v9;
	vm9 =	vnez.u8 v10  }
0x1f1: {  	v6 =	vadd.f32 v3, v6;
	v9 =	vadd.f32 v9, v12;
	v10 =	vsel vm9, $0x3F800000, v1  }
0x1f2: {  	v11 =	vnsel vm8, $0x0, v3;
	v3 =	vnsel vm9, $0x0, v3;
	v8 =	vadd.f32 v10, v8;
	v10 =	vld [tilespmem:$0x1FF10]  }
0x1f3: {  	v3 =	vadd.f32 v3, v9;
	v9 =	vld [tilespmem:$0x1FF20];
	_ =	sdelay $0x4  }
0x1f4: {  	v7 =	vld [tilespmem:$0x1FD50];
	vm10 =	vnez.u8 v10;
	vm11 =	vnez.u8 v9  }
0x1f5: {  	v6 =	vadd.f32 v5, v6;
	v9 =	vld [tilespmem:$0x1FEB0];
	v10 =	vnsel vm10, $0x0, v5;
	v5 =	vnsel vm11, $0x0, v5  }
0x1f6: {  	v3 =	vadd.f32 v5, v3;
	v5 =	vld [tilespmem:$0x1FEA0];
	_ =	sdelay $0x2  }
0x1f7: {  	v7 =	vadd.f32 v63, v7  }
0x1f8: {  	v6 =	vadd.f32 v2, v6  }
0x1f9: {  	v7 =	vadd.f32 v11, v7;
	vm13 =	vnez.u8 v9;
	vm12 =	vnez.u8 v5  }
0x1fa: {  	v8 =	vadd.f32 v35, v8;
	v5 =	vnsel vm12, $0x0, v2;
	v2 =	vnsel vm13, $0x0, v2  }
0x1fb: {  	v7 =	vadd.f32 v10, v7;
	v2 =	vadd.f32 v2, v3;
	v3 =	vld [tilespmem:$0x1FE10];
	_ =	sdelay $0x1  }
0x1fc: {  	v5 =	vadd.f32 v5, v7;
	v7 =	vadd.f32 v28, v8;
	v8 =	vld [tilespmem:$0x1FE00];
	_ =	sdelay $0x1  }
0x1fd: {  	s15 =	sadd.s32 $0x1, s15  }
0x1fe: {  	p0 =	sne.s32 s15, $0x19;
	v4 =	vadd.f32 v32, v4;
	vm15 =	vnez.u8 v3;
	v3 =	vld [tilespmem:$0x1FE20]  }
.Ltmp1:
0x1ff: {  	_ = 	snop;
	(pc) =	sbr.rel @p0 .LBB2_3-.Ltmp1, $4  }
0x200: {  	v11 =	vld [tilespmem:$0x1FFF0];
	v4 =	vadd.f32 v29, v4;
	vm14 =	vnez.u8 v8  }
0x201: {  	v24 =	vadd.f32 v0, v6;
	v9 =	vld [tilespmem:$0x1FFE0];
	v8 =	vnsel vm14, $0x0, v0  }
0x202: {  	v6 =	vadd.f32 v27, v4;
	v0 =	vnsel vm15, $0x0, v0;
	v4 =	vadd.f32 v8, v5;
	v8 =	vld [tilespmem:$0x1FFD0]  }
0x203: {  	s14 =	sadd.s32 $0x800, s14;
	v10 =	vlaneseq.u32;
	v0 =	vadd.f32 v0, v2;
	v3 =	vadd.f32 v3, v7;
	v7 =	vld [tilespmem:$0x1FFC0]  }
0x204: {  	s12 =	sadd.s32 $0x1, s12  }
0x205: {  	p0 =	sne.s32 s12, $0x4  }
.Ltmp2:
0x206: {  	_ = 	snop;
	(pc) =	sbr.rel @p0 .LBB2_2-.Ltmp2, $1  }
0x207: {  	_ =	sdelay $0x3  }
0x208: {  	[tilespmem:$0xCA00] =	vst v24  }
0x209: {  	[tilespmem:$0xCA80] =	vst v23  }
0x20a: {  	[tilespmem:$0xCB00] =	vst v22  }
0x20b: {  	[tilespmem:$0xCB80] =	vst v21  }
0x20c: {  	[tilespmem:$0xCC00] =	vst v20  }
0x20d: {  	[tilespmem:$0xCC80] =	vst v19  }
0x20e: {  	[tilespmem:$0xCD00] =	vst v18  }
0x20f: {  	[tilespmem:$0xCD80] =	vst v26  }
0x210: {  	[tilespmem:$0xCE00] =	vst v44  }
0x211: {  	[tilespmem:$0xCE80] =	vst v40  }
0x212: {  	[tilespmem:$0xCF00] =	vst v13  }
0x213: {  	[tilespmem:$0xCF80] =	vst v16  }
0x214: {  	[tilespmem:$0xD000] =	vst v15  }
0x215: {  	[tilespmem:$0xD080] =	vst v17  }
0x216: {  	[tilespmem:$0xD100] =	vst v14  }
0x217: {  	[tilespmem:$0xD180] =	vst v6  }
0x218: {  	[tilespmem:$0xD200] =	vst v4;
	s11 =	sadd.s32 $0x1, s11  }
0x219: {  	[tilespmem:$0xD280] =	vst v3;
	p0 =	sne.s32 s11, s7  }
.Ltmp3:
0x21a: {  	[tilespmem:$0xD300] =	vst v0;
	(pc) =	sbr.rel @p0 .LBB2_1-.Ltmp3, $4  }
0x21b: {  	[hbm4b:s6+s4] =	stream.linear.scatter [tilespmem:s10], [sflag:$0x1], $0x980, $0x38;
	[tilespmem:$0xD600] =	vst v63  }
0x21c: {  	_ =	swait.ge [sflag:s8], $0x980  }
0x21d: {  	[sflag:s8] =	ssyncset.done $0x0  }
0x21e: {  	[sflag:s8] =	ssyncadd.s32 $0xFFFFF680  }
0x21f: {  	_ =	sfence.sel $0x180000  }
0x220: {  	[bflag:$0x0] =	sbarrier.arrive $0xFFFF  }
0x221: {  	p0 =	sne.s32 s0, $0x0;
	_ =	strace $0x90000047  }
0x222: {  	s0 =	sadd.s32 @!p0 $0x100000, s1;
	[bflag:$0x2] =	sbarrier.arrive $0xFFFF  }
0x223: {  	[sflag:s0] =	ssyncadd.tile.s32 @!p0 $0x1;
	_ =	shalt  }
.Lfunc_end2:
_tile_overlayer_lowered:
.L_overlay_start_2:
0x224: {  	(tag) =	ssettag $0x2  }
0x225: {  	s0 =	rddreg [dreg:$0x0];
	s2 =	stileid.u32  }
0x226: {  	s1 =	rddreg [dreg:$0x1];
	p0 =	sne.s32 s2, $0x0  }
0x227: {  	s3 =	rddreg [dreg:$0x2];
	[bflag:$0x3] =	sbarrier.arrive $0xFFFF;
	s2 =	simm.s32 @!p0 $0x1C01  }
0x228: {  	[timem:s3], [sflag:s2] =	dma.local @!p0 [hbm:s0], s1  }
0x229: {  	s0 =	simm.s32 @!p0 $0x1  }
0x22a: {  	_ =	swait.ge @!p0 [sflag:s0], s1  }
0x22b: {  	s1 =	ssub.s32 @!p0 $0x0, s1;
	[sflag:s0] =	ssyncset.done @!p0 $0x0  }
0x22c: {  	[sflag:s0] =	ssyncadd.s32 @!p0 s1  }
0x22d: {  	[bflag:$0x3] =	sbarrier.arrive $0xFFFF  }
0x22e: {  	_ =	shalt  }

</sc_bundles>
